<compile_context>
chip_gen: v7x
topology: tpu7x:2x2x1
jax: 0.10.2.dev20260603
libtpu: 0.0.44.dev20260713+nightly
codegen_flags: <defaults>
</compile_context>

<pallas_src>
import functools

import jax
import jax.numpy as jnp
from jax import lax
from jax.experimental import pallas as pl
from jax.experimental.pallas import tpu as pltpu
from jax.experimental.pallas import tpu_sc as plsc

N_NODES = 10000
D = 128
N0 = 10000
N1 = 2816
N2 = 256

NC = 2
NS = 16
NW = NC * NS
L = 16

N0_PAD = 10240
NHALF = 5120
BH = NHALF // NW
N1_PAD = 3072
B1 = N1_PAD // NW
CH = 80


def _sc_gather_feature(feature, src_nodes, idx_pad, npad, offset):
    bw = npad // NW
    nch = bw // CH if bw % CH == 0 else 1
    ch = bw // nch
    mesh = plsc.VectorSubcoreMesh(core_axis_name="c", subcore_axis_name="s")

    @functools.partial(
        pl.kernel,
        out_type=jax.ShapeDtypeStruct((npad, D), jnp.float32),
        mesh=mesh,
        scratch_types=[
            pltpu.VMEM((bw,), jnp.int32),
            pltpu.VMEM((bw,), jnp.int32),
            pltpu.VMEM((bw, D), jnp.float32),
            pltpu.SemaphoreType.DMA,
            pltpu.SemaphoreType.DMA,
        ],
    )
    def k(feature_hbm, src_hbm, idx_hbm, out_hbm, idx_v, cidx_v, rows_v,
          sem, sem2):
        wid = lax.axis_index("s") * NC + lax.axis_index("c")
        base = wid * bw
        pltpu.sync_copy(idx_hbm.at[pl.ds(offset + base, bw)], idx_v)
        comp = [pltpu.async_copy(
                    src_hbm.at[idx_v.at[pl.ds(c * ch, ch)]],
                    cidx_v.at[pl.ds(c * ch, ch)], sem)
                for c in range(nch)]
        rows = []
        for c in range(nch):
            comp[c].wait()
            rows.append(pltpu.async_copy(
                feature_hbm.at[cidx_v.at[pl.ds(c * ch, ch)]],
                rows_v.at[pl.ds(c * ch, ch)], sem2))
        for d in rows:
            d.wait()
        pltpu.sync_copy(rows_v, out_hbm.at[pl.ds(base, bw)])

    return k(feature, src_nodes, idx_pad)


def _sc_gather_layer2(h1, nbr2, nidx2):
    BA = N1 // NW
    BB = N2 // NW
    mesh = plsc.VectorSubcoreMesh(core_axis_name="c", subcore_axis_name="s")

    @functools.partial(
        pl.kernel,
        out_type=(
            jax.ShapeDtypeStruct((N1, D), jnp.float32),
            jax.ShapeDtypeStruct((N2, D), jnp.float32),
        ),
        mesh=mesh,
        scratch_types=[
            pltpu.VMEM((BA,), jnp.int32),
            pltpu.VMEM((BA, D), jnp.float32),
            pltpu.VMEM((BB,), jnp.int32),
            pltpu.VMEM((BB, D), jnp.float32),
            pltpu.SemaphoreType.DMA,
        ],
    )
    def k(h1_hbm, nbr_hbm, nidx_hbm, node2_hbm, nf2_hbm,
          ia_v, ra_v, ib_v, rb_v, sem):
        wid = lax.axis_index("s") * NC + lax.axis_index("c")
        pltpu.sync_copy(nbr_hbm.at[pl.ds(wid * BA, BA)], ia_v)
        pltpu.sync_copy(nidx_hbm.at[pl.ds(wid * BB, BB)], ib_v)
        da = pltpu.async_copy(h1_hbm.at[ia_v], ra_v, sem)
        db = pltpu.async_copy(h1_hbm.at[ib_v], rb_v, sem)
        da.wait()
        db.wait()
        pltpu.sync_copy(ra_v, node2_hbm.at[pl.ds(wid * BA, BA)])
        pltpu.sync_copy(rb_v, nf2_hbm.at[pl.ds(wid * BB, BB)])

    return k(h1, nbr2, nidx2)


KBT = 1024
KHSTEPS = NHALF // KBT


def _tc_layer1_half(adj1t, node_half, koff, acc_in, nf1, w1):
    final = acc_in is not None

    def body(*refs):
        if final:
            (adjt_ref, node_ref, accin_ref, nf_ref, w_ref,
             out_ref, acc_ref) = refs
        else:
            adjt_ref, node_ref, out_ref, acc_ref = refs
        k = pl.program_id(0)

        @pl.when(k == 0)
        def _():
            acc_ref[:] = jnp.zeros_like(acc_ref)

        @pl.when(k < KHSTEPS - 1)
        def _():
            acc_ref[:] += lax.dot_general(
                adjt_ref[:], node_ref[:],
                dimension_numbers=(((0,), (0,)), ((), ())),
                preferred_element_type=jnp.float32)

        @pl.when(k == KHSTEPS - 1)
        def _():
            a = adjt_ref[:]
            if final:
                row = lax.broadcasted_iota(jnp.int32, (KBT, N1), 0)
                lim = N0 - (koff + KHSTEPS - 1) * KBT
                a = jnp.where(row < lim, a, 0.0)
            acc = acc_ref[:] + lax.dot_general(
                a, node_ref[:],
                dimension_numbers=(((0,), (0,)), ((), ())),
                preferred_element_type=jnp.float32)
            if final:
                agg = acc + accin_ref[:]
                h = (jnp.dot(agg, w_ref[:D, :],
                             preferred_element_type=jnp.float32)
                     + jnp.dot(nf_ref[pl.ds(0, N1), :], w_ref[D:, :],
                               preferred_element_type=jnp.float32))
                out_ref[:] = jnp.maximum(h, 0.0)
            else:
                out_ref[:] = acc

    in_specs = [
        pl.BlockSpec((KBT, N1), lambda k: (k + koff, 0)),
        pl.BlockSpec((KBT, D), lambda k: (k, 0)),
    ]
    args = [adj1t, node_half]
    if final:
        in_specs += [
            pl.BlockSpec((N1, D), lambda k: (0, 0)),
            pl.BlockSpec((N1_PAD, D), lambda k: (0, 0)),
            pl.BlockSpec((2 * D, D), lambda k: (0, 0)),
        ]
        args += [acc_in, nf1, w1]
    return pl.pallas_call(
        body,
        grid=(KHSTEPS,),
        in_specs=in_specs,
        out_specs=pl.BlockSpec((N1, D), lambda k: (0, 0)),
        out_shape=jax.ShapeDtypeStruct((N1, D), jnp.float32),
        scratch_shapes=[pltpu.VMEM((N1, D), jnp.float32)],
        compiler_params=pltpu.CompilerParams(
            dimension_semantics=("arbitrary",)),
    )(*args)


def _tc_layer2(adj2t, node2, nf2, w2):
    def body(adjt_ref, node_ref, nf_ref, w_ref, out_ref):
        agg = lax.dot_general(
            adjt_ref[:], node_ref[:],
            dimension_numbers=(((0,), (0,)), ((), ())),
            preferred_element_type=jnp.float32)
        out_ref[:] = (jnp.dot(agg, w_ref[:D, :],
                              preferred_element_type=jnp.float32)
                      + jnp.dot(nf_ref[:], w_ref[D:, :],
                                preferred_element_type=jnp.float32))

    return pl.pallas_call(
        body,
        out_shape=jax.ShapeDtypeStruct((N2, D), jnp.float32),
    )(adj2t, node2, nf2, w2)


def kernel(feature, src_nodes, nodes_index_1, neighbors_index_1, adj_mat_1,
           nodes_index_2, neighbors_index_2, adj_mat_2, w1, w2):
    src = src_nodes.astype(jnp.int32)
    nbr1 = jnp.pad(neighbors_index_1.astype(jnp.int32), (0, N0_PAD - N0))
    nidx1 = jnp.pad(nodes_index_1.astype(jnp.int32), (0, N1_PAD - N1))
    adj1t = adj_mat_1.T

    node_lo = _sc_gather_feature(feature, src, nbr1, NHALF, 0)
    node_hi = _sc_gather_feature(feature, src, nbr1, NHALF, NHALF)
    nf1 = _sc_gather_feature(feature, src, nidx1, N1_PAD, 0)

    acc = _tc_layer1_half(adj1t, node_lo, 0, None, None, None)
    h1 = _tc_layer1_half(adj1t, node_hi, KHSTEPS, acc, nf1, w1)

    node2, nf2 = _sc_gather_layer2(h1,
                                   neighbors_index_2.astype(jnp.int32),
                                   nodes_index_2.astype(jnp.int32))
    return _tc_layer2(adj_mat_2.T, node2, nf2, w2)

# --- scband reference (transcript-rebuilt; emitter-appended) ---
"""Pipeline reference for scband-graph-sage-base-42236708388901 (READ-ONLY COPY).

The authoritative reference and input builder live on the scoring server;
editing this copy changes nothing except your own understanding.
"""

import jax, jax.numpy as jnp
import numpy as np

N_NODES = 10000
D = 128
N0 = 10000
N1 = 2816
N2 = 256


def setup_inputs(seed: int = 0) -> dict:
    key = jax.random.key(seed)
    ks = jax.random.split(key, 10)
    feature = jax.random.normal(ks[0], (N_NODES, D), dtype=jnp.float32)
    src_nodes = jax.random.randint(ks[1], (N0,), 0, N_NODES)
    nodes_index_1 = jax.random.randint(ks[2], (N1,), 0, N0)
    neighbors_index_1 = jax.random.randint(ks[3], (N0,), 0, N0)
    a1 = jax.random.uniform(ks[4], (N1, N0), dtype=jnp.float32)
    adj_mat_1 = a1 / jnp.sum(a1, axis=1, keepdims=True)
    nodes_index_2 = jax.random.randint(ks[5], (N2,), 0, N1)
    neighbors_index_2 = jax.random.randint(ks[6], (N1,), 0, N1)
    a2 = jax.random.uniform(ks[7], (N2, N1), dtype=jnp.float32)
    adj_mat_2 = a2 / jnp.sum(a2, axis=1, keepdims=True)
    w1 = jax.random.normal(ks[8], (2 * D, D), dtype=jnp.float32) * (1.0 / np.sqrt(2 * D))
    w2 = jax.random.normal(ks[9], (2 * D, D), dtype=jnp.float32) * (1.0 / np.sqrt(2 * D))
    return {
        "feature": feature,
        "src_nodes": src_nodes,
        "nodes_index_1": nodes_index_1,
        "neighbors_index_1": neighbors_index_1,
        "adj_mat_1": adj_mat_1,
        "nodes_index_2": nodes_index_2,
        "neighbors_index_2": neighbors_index_2,
        "adj_mat_2": adj_mat_2,
        "w1": w1,
        "w2": w2,
    }


def reference(feature, src_nodes, nodes_index_1, neighbors_index_1, adj_mat_1,
              nodes_index_2, neighbors_index_2, adj_mat_2, w1, w2):
    # RawFeature layer: gather raw features for all sampled src nodes
    x = jnp.take(feature, src_nodes, axis=0)
    # MeanAggregator layer 1 (activ=True)
    neighbor_feature = jnp.take(x, nodes_index_1, axis=0)
    node_feature = jnp.take(x, neighbors_index_1, axis=0)
    agg_feature = jnp.matmul(adj_mat_1, node_feature)
    concat_feature = jnp.concatenate([agg_feature, neighbor_feature], axis=1)
    x = jnp.maximum(jnp.matmul(concat_feature, w1), 0.0)
    # MeanAggregator layer 2 (last_has_activ=False -> identity)
    neighbor_feature = jnp.take(x, nodes_index_2, axis=0)
    node_feature = jnp.take(x, neighbors_index_2, axis=0)
    agg_feature = jnp.matmul(adj_mat_2, node_feature)
    concat_feature = jnp.concatenate([agg_feature, neighbor_feature], axis=1)
    x = jnp.matmul(concat_feature, w2)
    return x

if __name__ == "__main__":
    import jax
    _d = setup_inputs()
    print(jax.jit(kernel)(*tuple(_d.values())))

</pallas_src>

<mosaic_0001>
#map = affine_map<(d0, d1) -> (0, 0)>
#map1 = affine_map<(d0, d1) -> (0)>
module attributes {stable_mosaic.version = 14 : i64} {
  func.func @k(%arg0: i32, %arg1: i32, %arg2: memref<10000x128xf32, #tpu.memory_space<hbm>>, %arg3: memref<10000xi32, #tpu.memory_space<hbm>>, %arg4: memref<10240xi32, #tpu.memory_space<hbm>>, %arg5: memref<5120x128xf32, #tpu.memory_space<hbm>>, %arg6: memref<160xi32, #tpu.memory_space<vmem>>, %arg7: memref<160xi32, #tpu.memory_space<vmem>>, %arg8: memref<160x128xf32, #tpu.memory_space<vmem>>, %arg9: memref<!tpu.dma_semaphore, #tpu.memory_space<semaphore_mem>>, %arg10: memref<!tpu.dma_semaphore, #tpu.memory_space<semaphore_mem>>) attributes {dimension_semantics = [#tpu.dimension_semantics<core_parallel>, #tpu.dimension_semantics<subcore_parallel>], iteration_bounds = array<i64: 2, 16>, scalar_prefetch = 0 : i64, scratch_operands = 5 : i64, tpu.core_type = #tpu.core_type<sc_vector_subcore>, window_params = [{transform_indices = #map}, {transform_indices = #map1}, {transform_indices = #map1}, {transform_indices = #map}]} {
    %mul3A = arith.constant 2 : i32
    %mul3A_0 = arith.muli %arg1, %mul3A : i32
    %add3A = arith.addi %mul3A_0, %arg0 : i32
    %mul3A_1 = arith.constant 160 : i32
    %mul3A_2 = arith.muli %add3A, %mul3A_1 : i32
    %add3A_3 = arith.constant 0 : i32
    %add3A_4 = arith.addi %add3A_3, %mul3A_2 : i32
    "tpu.region"() ({
      %run_scoped3A = tpu.sem_alloc : memref<!tpu.dma_semaphore, #tpu.memory_space<semaphore_mem>>
      %dma_start3A_59 = tpu.memref_slice %arg4[%add3A_4] : memref<10240xi32, #tpu.memory_space<hbm>> -> memref<160xi32, #tpu.memory_space<hbm>>
      %dma_start3A_60 = tpu.memref_slice %arg4[%add3A_4] : memref<10240xi32, #tpu.memory_space<hbm>> -> memref<160xi32, #tpu.memory_space<hbm>>
      tpu.enqueue_dma source(%dma_start3A_60 : memref<160xi32, #tpu.memory_space<hbm>>) target(%arg6 : memref<160xi32, #tpu.memory_space<vmem>>) target_semaphore(%run_scoped3A : memref<!tpu.dma_semaphore, #tpu.memory_space<semaphore_mem>>)
      %dma_wait3A_61 = tpu.memref_slice %arg4[%add3A_4] : memref<10240xi32, #tpu.memory_space<hbm>> -> memref<160xi32, #tpu.memory_space<hbm>>
      %dma_wait3A_62 = tpu.memref_slice %arg4[%add3A_4] : memref<10240xi32, #tpu.memory_space<hbm>> -> memref<160xi32, #tpu.memory_space<hbm>>
      tpu.wait_dma2 semaphore(%run_scoped3A : memref<!tpu.dma_semaphore, #tpu.memory_space<semaphore_mem>>) src(%dma_wait3A_62 : memref<160xi32, #tpu.memory_space<hbm>>) dst(%arg6 : memref<160xi32, #tpu.memory_space<vmem>>)
      tpu.yield
    }) : () -> ()
    %dma_start3A = arith.constant 0 : i32
    %dma_start3A_5 = tpu.memref_slice %arg7[%dma_start3A] : memref<160xi32, #tpu.memory_space<vmem>> -> memref<80xi32, #tpu.memory_space<vmem>>
    %dma_start3A_6 = arith.constant 0 : i32
    %dma_start3A_7 = tpu.memref_slice %arg6[%dma_start3A_6] : memref<160xi32, #tpu.memory_space<vmem>> -> memref<80xi32, #tpu.memory_space<vmem>>
    %dma_start3A_8 = arith.constant 0 : i32
    %dma_start3A_9 = tpu.memref_slice %arg3[%dma_start3A_8] : memref<10000xi32, #tpu.memory_space<hbm>> -> memref<10000xi32, #tpu.memory_space<hbm>>
    tpu.enqueue_indirect_dma source(%dma_start3A_9 : memref<10000xi32, #tpu.memory_space<hbm>>) target(%dma_start3A_5 : memref<80xi32, #tpu.memory_space<vmem>>) offsets(%dma_start3A_7 : memref<80xi32, #tpu.memory_space<vmem>>) semaphore(%arg9 : memref<!tpu.dma_semaphore, #tpu.memory_space<semaphore_mem>>)
    %dma_start3A_10 = arith.constant 80 : i32
    %dma_start3A_11 = tpu.memref_slice %arg7[%dma_start3A_10] : memref<160xi32, #tpu.memory_space<vmem>> -> memref<80xi32, #tpu.memory_space<vmem>>
    %dma_start3A_12 = arith.constant 80 : i32
    %dma_start3A_13 = tpu.memref_slice %arg6[%dma_start3A_12] : memref<160xi32, #tpu.memory_space<vmem>> -> memref<80xi32, #tpu.memory_space<vmem>>
    %dma_start3A_14 = arith.constant 0 : i32
    %dma_start3A_15 = tpu.memref_slice %arg3[%dma_start3A_14] : memref<10000xi32, #tpu.memory_space<hbm>> -> memref<10000xi32, #tpu.memory_space<hbm>>
    tpu.enqueue_indirect_dma source(%dma_start3A_15 : memref<10000xi32, #tpu.memory_space<hbm>>) target(%dma_start3A_11 : memref<80xi32, #tpu.memory_space<vmem>>) offsets(%dma_start3A_13 : memref<80xi32, #tpu.memory_space<vmem>>) semaphore(%arg9 : memref<!tpu.dma_semaphore, #tpu.memory_space<semaphore_mem>>)
    %dma_wait3A = arith.constant 0 : i32
    %dma_wait3A_16 = tpu.memref_slice %arg7[%dma_wait3A] : memref<160xi32, #tpu.memory_space<vmem>> -> memref<80xi32, #tpu.memory_space<vmem>>
    %dma_wait3A_17 = arith.constant 0 : i32
    %dma_wait3A_18 = tpu.memref_slice %arg6[%dma_wait3A_17] : memref<160xi32, #tpu.memory_space<vmem>> -> memref<80xi32, #tpu.memory_space<vmem>>
    %dma_wait3A_19 = arith.constant 0 : i32
    %dma_wait3A_20 = tpu.memref_slice %arg3[%dma_wait3A_19] : memref<10000xi32, #tpu.memory_space<hbm>> -> memref<10000xi32, #tpu.memory_space<hbm>>
    tpu.wait_indirect_dma semaphore(%arg9 : memref<!tpu.dma_semaphore, #tpu.memory_space<semaphore_mem>>) src(%dma_wait3A_20 : memref<10000xi32, #tpu.memory_space<hbm>>) dst(%dma_wait3A_16 : memref<80xi32, #tpu.memory_space<vmem>>)
    %dma_start3A_21 = arith.constant 0 : i32
    %dma_start3A_22 = arith.constant 0 : i32
    %dma_start3A_23 = tpu.memref_slice %arg8[%dma_start3A_21, %dma_start3A_22] : memref<160x128xf32, #tpu.memory_space<vmem>> -> memref<80x128xf32, #tpu.memory_space<vmem>>
    %dma_start3A_24 = arith.constant 0 : i32
    %dma_start3A_25 = tpu.memref_slice %arg7[%dma_start3A_24] : memref<160xi32, #tpu.memory_space<vmem>> -> memref<80xi32, #tpu.memory_space<vmem>>
    %dma_start3A_26 = arith.constant 0 : i32
    %dma_start3A_27 = arith.constant 0 : i32
    %dma_start3A_28 = tpu.memref_slice %arg2[%dma_start3A_26, %dma_start3A_27] : memref<10000x128xf32, #tpu.memory_space<hbm>> -> memref<10000x128xf32, #tpu.memory_space<hbm>>
    tpu.enqueue_indirect_dma source(%dma_start3A_28 : memref<10000x128xf32, #tpu.memory_space<hbm>>) target(%dma_start3A_23 : memref<80x128xf32, #tpu.memory_space<vmem>>) offsets(%dma_start3A_25 : memref<80xi32, #tpu.memory_space<vmem>>) semaphore(%arg10 : memref<!tpu.dma_semaphore, #tpu.memory_space<semaphore_mem>>)
    %dma_wait3A_29 = arith.constant 80 : i32
    %dma_wait3A_30 = tpu.memref_slice %arg7[%dma_wait3A_29] : memref<160xi32, #tpu.memory_space<vmem>> -> memref<80xi32, #tpu.memory_space<vmem>>
    %dma_wait3A_31 = arith.constant 80 : i32
    %dma_wait3A_32 = tpu.memref_slice %arg6[%dma_wait3A_31] : memref<160xi32, #tpu.memory_space<vmem>> -> memref<80xi32, #tpu.memory_space<vmem>>
    %dma_wait3A_33 = arith.constant 0 : i32
    %dma_wait3A_34 = tpu.memref_slice %arg3[%dma_wait3A_33] : memref<10000xi32, #tpu.memory_space<hbm>> -> memref<10000xi32, #tpu.memory_space<hbm>>
    tpu.wait_indirect_dma semaphore(%arg9 : memref<!tpu.dma_semaphore, #tpu.memory_space<semaphore_mem>>) src(%dma_wait3A_34 : memref<10000xi32, #tpu.memory_space<hbm>>) dst(%dma_wait3A_30 : memref<80xi32, #tpu.memory_space<vmem>>)
    %dma_start3A_35 = arith.constant 80 : i32
    %dma_start3A_36 = arith.constant 0 : i32
    %dma_start3A_37 = tpu.memref_slice %arg8[%dma_start3A_35, %dma_start3A_36] : memref<160x128xf32, #tpu.memory_space<vmem>> -> memref<80x128xf32, #tpu.memory_space<vmem>>
    %dma_start3A_38 = arith.constant 80 : i32
    %dma_start3A_39 = tpu.memref_slice %arg7[%dma_start3A_38] : memref<160xi32, #tpu.memory_space<vmem>> -> memref<80xi32, #tpu.memory_space<vmem>>
    %dma_start3A_40 = arith.constant 0 : i32
    %dma_start3A_41 = arith.constant 0 : i32
    %dma_start3A_42 = tpu.memref_slice %arg2[%dma_start3A_40, %dma_start3A_41] : memref<10000x128xf32, #tpu.memory_space<hbm>> -> memref<10000x128xf32, #tpu.memory_space<hbm>>
    tpu.enqueue_indirect_dma source(%dma_start3A_42 : memref<10000x128xf32, #tpu.memory_space<hbm>>) target(%dma_start3A_37 : memref<80x128xf32, #tpu.memory_space<vmem>>) offsets(%dma_start3A_39 : memref<80xi32, #tpu.memory_space<vmem>>) semaphore(%arg10 : memref<!tpu.dma_semaphore, #tpu.memory_space<semaphore_mem>>)
    %dma_wait3A_43 = arith.constant 0 : i32
    %dma_wait3A_44 = arith.constant 0 : i32
    %dma_wait3A_45 = tpu.memref_slice %arg8[%dma_wait3A_43, %dma_wait3A_44] : memref<160x128xf32, #tpu.memory_space<vmem>> -> memref<80x128xf32, #tpu.memory_space<vmem>>
    %dma_wait3A_46 = arith.constant 0 : i32
    %dma_wait3A_47 = tpu.memref_slice %arg7[%dma_wait3A_46] : memref<160xi32, #tpu.memory_space<vmem>> -> memref<80xi32, #tpu.memory_space<vmem>>
    %dma_wait3A_48 = arith.constant 0 : i32
    %dma_wait3A_49 = arith.constant 0 : i32
    %dma_wait3A_50 = tpu.memref_slice %arg2[%dma_wait3A_48, %dma_wait3A_49] : memref<10000x128xf32, #tpu.memory_space<hbm>> -> memref<10000x128xf32, #tpu.memory_space<hbm>>
    tpu.wait_indirect_dma semaphore(%arg10 : memref<!tpu.dma_semaphore, #tpu.memory_space<semaphore_mem>>) src(%dma_wait3A_50 : memref<10000x128xf32, #tpu.memory_space<hbm>>) dst(%dma_wait3A_45 : memref<80x128xf32, #tpu.memory_space<vmem>>)
    %dma_wait3A_51 = arith.constant 80 : i32
    %dma_wait3A_52 = arith.constant 0 : i32
    %dma_wait3A_53 = tpu.memref_slice %arg8[%dma_wait3A_51, %dma_wait3A_52] : memref<160x128xf32, #tpu.memory_space<vmem>> -> memref<80x128xf32, #tpu.memory_space<vmem>>
    %dma_wait3A_54 = arith.constant 80 : i32
    %dma_wait3A_55 = tpu.memref_slice %arg7[%dma_wait3A_54] : memref<160xi32, #tpu.memory_space<vmem>> -> memref<80xi32, #tpu.memory_space<vmem>>
    %dma_wait3A_56 = arith.constant 0 : i32
    %dma_wait3A_57 = arith.constant 0 : i32
    %dma_wait3A_58 = tpu.memref_slice %arg2[%dma_wait3A_56, %dma_wait3A_57] : memref<10000x128xf32, #tpu.memory_space<hbm>> -> memref<10000x128xf32, #tpu.memory_space<hbm>>
    tpu.wait_indirect_dma semaphore(%arg10 : memref<!tpu.dma_semaphore, #tpu.memory_space<semaphore_mem>>) src(%dma_wait3A_58 : memref<10000x128xf32, #tpu.memory_space<hbm>>) dst(%dma_wait3A_53 : memref<80x128xf32, #tpu.memory_space<vmem>>)
    "tpu.region"() ({
      %run_scoped3A = tpu.sem_alloc : memref<!tpu.dma_semaphore, #tpu.memory_space<semaphore_mem>>
      %dma_start3A_59 = arith.constant 0 : i32
      %dma_start3A_60 = tpu.memref_slice %arg5[%mul3A_2, %dma_start3A_59] : memref<5120x128xf32, #tpu.memory_space<hbm>> -> memref<160x128xf32, #tpu.memory_space<hbm>>
      %dma_start3A_61 = arith.constant 0 : i32
      %dma_start3A_62 = tpu.memref_slice %arg5[%mul3A_2, %dma_start3A_61] : memref<5120x128xf32, #tpu.memory_space<hbm>> -> memref<160x128xf32, #tpu.memory_space<hbm>>
      tpu.enqueue_dma source(%arg8 : memref<160x128xf32, #tpu.memory_space<vmem>>) target(%dma_start3A_62 : memref<160x128xf32, #tpu.memory_space<hbm>>) target_semaphore(%run_scoped3A : memref<!tpu.dma_semaphore, #tpu.memory_space<semaphore_mem>>)
      %dma_wait3A_63 = arith.constant 0 : i32
      %dma_wait3A_64 = tpu.memref_slice %arg5[%mul3A_2, %dma_wait3A_63] : memref<5120x128xf32, #tpu.memory_space<hbm>> -> memref<160x128xf32, #tpu.memory_space<hbm>>
      %dma_wait3A_65 = arith.constant 0 : i32
      %dma_wait3A_66 = tpu.memref_slice %arg5[%mul3A_2, %dma_wait3A_65] : memref<5120x128xf32, #tpu.memory_space<hbm>> -> memref<160x128xf32, #tpu.memory_space<hbm>>
      tpu.wait_dma2 semaphore(%run_scoped3A : memref<!tpu.dma_semaphore, #tpu.memory_space<semaphore_mem>>) src(%arg8 : memref<160x128xf32, #tpu.memory_space<vmem>>) dst(%dma_wait3A_66 : memref<160x128xf32, #tpu.memory_space<hbm>>)
      tpu.yield
    }) : () -> ()
    return
  }
}

#map = affine_map<(d0, d1) -> (0, 0)>
#map1 = affine_map<(d0, d1) -> (0)>
module attributes {stable_mosaic.version = 14 : i64} {
  func.func @k(%arg0: i32, %arg1: i32, %arg2: memref<2816x128xf32, #tpu.memory_space<hbm>>, %arg3: memref<2816xi32, #tpu.memory_space<hbm>>, %arg4: memref<256xi32, #tpu.memory_space<hbm>>, %arg5: memref<2816x128xf32, #tpu.memory_space<hbm>>, %arg6: memref<256x128xf32, #tpu.memory_space<hbm>>, %arg7: memref<88xi32, #tpu.memory_space<vmem>>, %arg8: memref<88x128xf32, #tpu.memory_space<vmem>>, %arg9: memref<8xi32, #tpu.memory_space<vmem>>, %arg10: memref<8x128xf32, #tpu.memory_space<vmem>>, %arg11: memref<!tpu.dma_semaphore, #tpu.memory_space<semaphore_mem>>) attributes {dimension_semantics = [#tpu.dimension_semantics<core_parallel>, #tpu.dimension_semantics<subcore_parallel>], iteration_bounds = array<i64: 2, 16>, scalar_prefetch = 0 : i64, scratch_operands = 5 : i64, tpu.core_type = #tpu.core_type<sc_vector_subcore>, window_params = [{transform_indices = #map}, {transform_indices = #map1}, {transform_indices = #map1}, {transform_indices = #map}, {transform_indices = #map}]} {
    %mul3A = arith.constant 2 : i32
    %mul3A_0 = arith.muli %arg1, %mul3A : i32
    %add3A = arith.addi %mul3A_0, %arg0 : i32
    %mul3A_1 = arith.constant 88 : i32
    %mul3A_2 = arith.muli %add3A, %mul3A_1 : i32
    "tpu.region"() ({
      %run_scoped3A = tpu.sem_alloc : memref<!tpu.dma_semaphore, #tpu.memory_space<semaphore_mem>>
      %dma_start3A_19 = tpu.memref_slice %arg3[%mul3A_2] : memref<2816xi32, #tpu.memory_space<hbm>> -> memref<88xi32, #tpu.memory_space<hbm>>
      %dma_start3A_20 = tpu.memref_slice %arg3[%mul3A_2] : memref<2816xi32, #tpu.memory_space<hbm>> -> memref<88xi32, #tpu.memory_space<hbm>>
      tpu.enqueue_dma source(%dma_start3A_20 : memref<88xi32, #tpu.memory_space<hbm>>) target(%arg7 : memref<88xi32, #tpu.memory_space<vmem>>) target_semaphore(%run_scoped3A : memref<!tpu.dma_semaphore, #tpu.memory_space<semaphore_mem>>)
      %dma_wait3A_21 = tpu.memref_slice %arg3[%mul3A_2] : memref<2816xi32, #tpu.memory_space<hbm>> -> memref<88xi32, #tpu.memory_space<hbm>>
      %dma_wait3A_22 = tpu.memref_slice %arg3[%mul3A_2] : memref<2816xi32, #tpu.memory_space<hbm>> -> memref<88xi32, #tpu.memory_space<hbm>>
      tpu.wait_dma2 semaphore(%run_scoped3A : memref<!tpu.dma_semaphore, #tpu.memory_space<semaphore_mem>>) src(%dma_wait3A_22 : memref<88xi32, #tpu.memory_space<hbm>>) dst(%arg7 : memref<88xi32, #tpu.memory_space<vmem>>)
      tpu.yield
    }) : () -> ()
    %mul3A_3 = arith.constant 8 : i32
    %mul3A_4 = arith.muli %add3A, %mul3A_3 : i32
    "tpu.region"() ({
      %run_scoped3A = tpu.sem_alloc : memref<!tpu.dma_semaphore, #tpu.memory_space<semaphore_mem>>
      %dma_start3A_19 = tpu.memref_slice %arg4[%mul3A_4] : memref<256xi32, #tpu.memory_space<hbm>> -> memref<8xi32, #tpu.memory_space<hbm>>
      %dma_start3A_20 = tpu.memref_slice %arg4[%mul3A_4] : memref<256xi32, #tpu.memory_space<hbm>> -> memref<8xi32, #tpu.memory_space<hbm>>
      tpu.enqueue_dma source(%dma_start3A_20 : memref<8xi32, #tpu.memory_space<hbm>>) target(%arg9 : memref<8xi32, #tpu.memory_space<vmem>>) target_semaphore(%run_scoped3A : memref<!tpu.dma_semaphore, #tpu.memory_space<semaphore_mem>>)
      %dma_wait3A_21 = tpu.memref_slice %arg4[%mul3A_4] : memref<256xi32, #tpu.memory_space<hbm>> -> memref<8xi32, #tpu.memory_space<hbm>>
      %dma_wait3A_22 = tpu.memref_slice %arg4[%mul3A_4] : memref<256xi32, #tpu.memory_space<hbm>> -> memref<8xi32, #tpu.memory_space<hbm>>
      tpu.wait_dma2 semaphore(%run_scoped3A : memref<!tpu.dma_semaphore, #tpu.memory_space<semaphore_mem>>) src(%dma_wait3A_22 : memref<8xi32, #tpu.memory_space<hbm>>) dst(%arg9 : memref<8xi32, #tpu.memory_space<vmem>>)
      tpu.yield
    }) : () -> ()
    %dma_start3A = arith.constant 0 : i32
    %dma_start3A_5 = arith.constant 0 : i32
    %dma_start3A_6 = tpu.memref_slice %arg2[%dma_start3A, %dma_start3A_5] : memref<2816x128xf32, #tpu.memory_space<hbm>> -> memref<2816x128xf32, #tpu.memory_space<hbm>>
    tpu.enqueue_indirect_dma source(%dma_start3A_6 : memref<2816x128xf32, #tpu.memory_space<hbm>>) target(%arg8 : memref<88x128xf32, #tpu.memory_space<vmem>>) offsets(%arg7 : memref<88xi32, #tpu.memory_space<vmem>>) semaphore(%arg11 : memref<!tpu.dma_semaphore, #tpu.memory_space<semaphore_mem>>)
    %dma_start3A_7 = arith.constant 0 : i32
    %dma_start3A_8 = arith.constant 0 : i32
    %dma_start3A_9 = tpu.memref_slice %arg2[%dma_start3A_7, %dma_start3A_8] : memref<2816x128xf32, #tpu.memory_space<hbm>> -> memref<2816x128xf32, #tpu.memory_space<hbm>>
    tpu.enqueue_indirect_dma source(%dma_start3A_9 : memref<2816x128xf32, #tpu.memory_space<hbm>>) target(%arg10 : memref<8x128xf32, #tpu.memory_space<vmem>>) offsets(%arg9 : memref<8xi32, #tpu.memory_space<vmem>>) semaphore(%arg11 : memref<!tpu.dma_semaphore, #tpu.memory_space<semaphore_mem>>)
    %dma_wait3A = arith.constant 0 : i32
    %dma_wait3A_10 = arith.constant 0 : i32
    %dma_wait3A_11 = tpu.memref_slice %arg2[%dma_wait3A, %dma_wait3A_10] : memref<2816x128xf32, #tpu.memory_space<hbm>> -> memref<2816x128xf32, #tpu.memory_space<hbm>>
    tpu.wait_indirect_dma semaphore(%arg11 : memref<!tpu.dma_semaphore, #tpu.memory_space<semaphore_mem>>) src(%dma_wait3A_11 : memref<2816x128xf32, #tpu.memory_space<hbm>>) dst(%arg8 : memref<88x128xf32, #tpu.memory_space<vmem>>)
    %dma_wait3A_12 = arith.constant 0 : i32
    %dma_wait3A_13 = arith.constant 0 : i32
    %dma_wait3A_14 = tpu.memref_slice %arg2[%dma_wait3A_12, %dma_wait3A_13] : memref<2816x128xf32, #tpu.memory_space<hbm>> -> memref<2816x128xf32, #tpu.memory_space<hbm>>
    tpu.wait_indirect_dma semaphore(%arg11 : memref<!tpu.dma_semaphore, #tpu.memory_space<semaphore_mem>>) src(%dma_wait3A_14 : memref<2816x128xf32, #tpu.memory_space<hbm>>) dst(%arg10 : memref<8x128xf32, #tpu.memory_space<vmem>>)
    %mul3A_15 = arith.constant 88 : i32
    %mul3A_16 = arith.muli %add3A, %mul3A_15 : i32
    "tpu.region"() ({
      %run_scoped3A = tpu.sem_alloc : memref<!tpu.dma_semaphore, #tpu.memory_space<semaphore_mem>>
      %dma_start3A_19 = arith.constant 0 : i32
      %dma_start3A_20 = tpu.memref_slice %arg5[%mul3A_16, %dma_start3A_19] : memref<2816x128xf32, #tpu.memory_space<hbm>> -> memref<88x128xf32, #tpu.memory_space<hbm>>
      %dma_start3A_21 = arith.constant 0 : i32
      %dma_start3A_22 = tpu.memref_slice %arg5[%mul3A_16, %dma_start3A_21] : memref<2816x128xf32, #tpu.memory_space<hbm>> -> memref<88x128xf32, #tpu.memory_space<hbm>>
      tpu.enqueue_dma source(%arg8 : memref<88x128xf32, #tpu.memory_space<vmem>>) target(%dma_start3A_22 : memref<88x128xf32, #tpu.memory_space<hbm>>) target_semaphore(%run_scoped3A : memref<!tpu.dma_semaphore, #tpu.memory_space<semaphore_mem>>)
      %dma_wait3A_23 = arith.constant 0 : i32
      %dma_wait3A_24 = tpu.memref_slice %arg5[%mul3A_16, %dma_wait3A_23] : memref<2816x128xf32, #tpu.memory_space<hbm>> -> memref<88x128xf32, #tpu.memory_space<hbm>>
      %dma_wait3A_25 = arith.constant 0 : i32
      %dma_wait3A_26 = tpu.memref_slice %arg5[%mul3A_16, %dma_wait3A_25] : memref<2816x128xf32, #tpu.memory_space<hbm>> -> memref<88x128xf32, #tpu.memory_space<hbm>>
      tpu.wait_dma2 semaphore(%run_scoped3A : memref<!tpu.dma_semaphore, #tpu.memory_space<semaphore_mem>>) src(%arg8 : memref<88x128xf32, #tpu.memory_space<vmem>>) dst(%dma_wait3A_26 : memref<88x128xf32, #tpu.memory_space<hbm>>)
      tpu.yield
    }) : () -> ()
    %mul3A_17 = arith.constant 8 : i32
    %mul3A_18 = arith.muli %add3A, %mul3A_17 : i32
    "tpu.region"() ({
      %run_scoped3A = tpu.sem_alloc : memref<!tpu.dma_semaphore, #tpu.memory_space<semaphore_mem>>
      %dma_start3A_19 = arith.constant 0 : i32
      %dma_start3A_20 = tpu.memref_slice %arg6[%mul3A_18, %dma_start3A_19] : memref<256x128xf32, #tpu.memory_space<hbm>> -> memref<8x128xf32, #tpu.memory_space<hbm>>
      %dma_start3A_21 = arith.constant 0 : i32
      %dma_start3A_22 = tpu.memref_slice %arg6[%mul3A_18, %dma_start3A_21] : memref<256x128xf32, #tpu.memory_space<hbm>> -> memref<8x128xf32, #tpu.memory_space<hbm>>
      tpu.enqueue_dma source(%arg10 : memref<8x128xf32, #tpu.memory_space<vmem>>) target(%dma_start3A_22 : memref<8x128xf32, #tpu.memory_space<hbm>>) target_semaphore(%run_scoped3A : memref<!tpu.dma_semaphore, #tpu.memory_space<semaphore_mem>>)
      %dma_wait3A_23 = arith.constant 0 : i32
      %dma_wait3A_24 = tpu.memref_slice %arg6[%mul3A_18, %dma_wait3A_23] : memref<256x128xf32, #tpu.memory_space<hbm>> -> memref<8x128xf32, #tpu.memory_space<hbm>>
      %dma_wait3A_25 = arith.constant 0 : i32
      %dma_wait3A_26 = tpu.memref_slice %arg6[%mul3A_18, %dma_wait3A_25] : memref<256x128xf32, #tpu.memory_space<hbm>> -> memref<8x128xf32, #tpu.memory_space<hbm>>
      tpu.wait_dma2 semaphore(%run_scoped3A : memref<!tpu.dma_semaphore, #tpu.memory_space<semaphore_mem>>) src(%arg10 : memref<8x128xf32, #tpu.memory_space<vmem>>) dst(%dma_wait3A_26 : memref<8x128xf32, #tpu.memory_space<hbm>>)
      tpu.yield
    }) : () -> ()
    return
  }
}

#map = affine_map<(d0, d1) -> (0, 0)>
#map1 = affine_map<(d0, d1) -> (0)>
module attributes {stable_mosaic.version = 14 : i64} {
  func.func @k(%arg0: i32, %arg1: i32, %arg2: memref<10000x128xf32, #tpu.memory_space<hbm>>, %arg3: memref<10000xi32, #tpu.memory_space<hbm>>, %arg4: memref<3072xi32, #tpu.memory_space<hbm>>, %arg5: memref<3072x128xf32, #tpu.memory_space<hbm>>, %arg6: memref<96xi32, #tpu.memory_space<vmem>>, %arg7: memref<96xi32, #tpu.memory_space<vmem>>, %arg8: memref<96x128xf32, #tpu.memory_space<vmem>>, %arg9: memref<!tpu.dma_semaphore, #tpu.memory_space<semaphore_mem>>, %arg10: memref<!tpu.dma_semaphore, #tpu.memory_space<semaphore_mem>>) attributes {dimension_semantics = [#tpu.dimension_semantics<core_parallel>, #tpu.dimension_semantics<subcore_parallel>], iteration_bounds = array<i64: 2, 16>, scalar_prefetch = 0 : i64, scratch_operands = 5 : i64, tpu.core_type = #tpu.core_type<sc_vector_subcore>, window_params = [{transform_indices = #map}, {transform_indices = #map1}, {transform_indices = #map1}, {transform_indices = #map}]} {
    %mul3A = arith.constant 2 : i32
    %mul3A_0 = arith.muli %arg1, %mul3A : i32
    %add3A = arith.addi %mul3A_0, %arg0 : i32
    %mul3A_1 = arith.constant 96 : i32
    %mul3A_2 = arith.muli %add3A, %mul3A_1 : i32
    %add3A_3 = arith.constant 0 : i32
    %add3A_4 = arith.addi %add3A_3, %mul3A_2 : i32
    "tpu.region"() ({
      %run_scoped3A = tpu.sem_alloc : memref<!tpu.dma_semaphore, #tpu.memory_space<semaphore_mem>>
      %dma_start3A_31 = tpu.memref_slice %arg4[%add3A_4] : memref<3072xi32, #tpu.memory_space<hbm>> -> memref<96xi32, #tpu.memory_space<hbm>>
      %dma_start3A_32 = tpu.memref_slice %arg4[%add3A_4] : memref<3072xi32, #tpu.memory_space<hbm>> -> memref<96xi32, #tpu.memory_space<hbm>>
      tpu.enqueue_dma source(%dma_start3A_32 : memref<96xi32, #tpu.memory_space<hbm>>) target(%arg6 : memref<96xi32, #tpu.memory_space<vmem>>) target_semaphore(%run_scoped3A : memref<!tpu.dma_semaphore, #tpu.memory_space<semaphore_mem>>)
      %dma_wait3A_33 = tpu.memref_slice %arg4[%add3A_4] : memref<3072xi32, #tpu.memory_space<hbm>> -> memref<96xi32, #tpu.memory_space<hbm>>
      %dma_wait3A_34 = tpu.memref_slice %arg4[%add3A_4] : memref<3072xi32, #tpu.memory_space<hbm>> -> memref<96xi32, #tpu.memory_space<hbm>>
      tpu.wait_dma2 semaphore(%run_scoped3A : memref<!tpu.dma_semaphore, #tpu.memory_space<semaphore_mem>>) src(%dma_wait3A_34 : memref<96xi32, #tpu.memory_space<hbm>>) dst(%arg6 : memref<96xi32, #tpu.memory_space<vmem>>)
      tpu.yield
    }) : () -> ()
    %dma_start3A = arith.constant 0 : i32
    %dma_start3A_5 = tpu.memref_slice %arg7[%dma_start3A] : memref<96xi32, #tpu.memory_space<vmem>> -> memref<96xi32, #tpu.memory_space<vmem>>
    %dma_start3A_6 = arith.constant 0 : i32
    %dma_start3A_7 = tpu.memref_slice %arg6[%dma_start3A_6] : memref<96xi32, #tpu.memory_space<vmem>> -> memref<96xi32, #tpu.memory_space<vmem>>
    %dma_start3A_8 = arith.constant 0 : i32
    %dma_start3A_9 = tpu.memref_slice %arg3[%dma_start3A_8] : memref<10000xi32, #tpu.memory_space<hbm>> -> memref<10000xi32, #tpu.memory_space<hbm>>
    tpu.enqueue_indirect_dma source(%dma_start3A_9 : memref<10000xi32, #tpu.memory_space<hbm>>) target(%dma_start3A_5 : memref<96xi32, #tpu.memory_space<vmem>>) offsets(%dma_start3A_7 : memref<96xi32, #tpu.memory_space<vmem>>) semaphore(%arg9 : memref<!tpu.dma_semaphore, #tpu.memory_space<semaphore_mem>>)
    %dma_wait3A = arith.constant 0 : i32
    %dma_wait3A_10 = tpu.memref_slice %arg7[%dma_wait3A] : memref<96xi32, #tpu.memory_space<vmem>> -> memref<96xi32, #tpu.memory_space<vmem>>
    %dma_wait3A_11 = arith.constant 0 : i32
    %dma_wait3A_12 = tpu.memref_slice %arg6[%dma_wait3A_11] : memref<96xi32, #tpu.memory_space<vmem>> -> memref<96xi32, #tpu.memory_space<vmem>>
    %dma_wait3A_13 = arith.constant 0 : i32
    %dma_wait3A_14 = tpu.memref_slice %arg3[%dma_wait3A_13] : memref<10000xi32, #tpu.memory_space<hbm>> -> memref<10000xi32, #tpu.memory_space<hbm>>
    tpu.wait_indirect_dma semaphore(%arg9 : memref<!tpu.dma_semaphore, #tpu.memory_space<semaphore_mem>>) src(%dma_wait3A_14 : memref<10000xi32, #tpu.memory_space<hbm>>) dst(%dma_wait3A_10 : memref<96xi32, #tpu.memory_space<vmem>>)
    %dma_start3A_15 = arith.constant 0 : i32
    %dma_start3A_16 = arith.constant 0 : i32
    %dma_start3A_17 = tpu.memref_slice %arg8[%dma_start3A_15, %dma_start3A_16] : memref<96x128xf32, #tpu.memory_space<vmem>> -> memref<96x128xf32, #tpu.memory_space<vmem>>
    %dma_start3A_18 = arith.constant 0 : i32
    %dma_start3A_19 = tpu.memref_slice %arg7[%dma_start3A_18] : memref<96xi32, #tpu.memory_space<vmem>> -> memref<96xi32, #tpu.memory_space<vmem>>
    %dma_start3A_20 = arith.constant 0 : i32
    %dma_start3A_21 = arith.constant 0 : i32
    %dma_start3A_22 = tpu.memref_slice %arg2[%dma_start3A_20, %dma_start3A_21] : memref<10000x128xf32, #tpu.memory_space<hbm>> -> memref<10000x128xf32, #tpu.memory_space<hbm>>
    tpu.enqueue_indirect_dma source(%dma_start3A_22 : memref<10000x128xf32, #tpu.memory_space<hbm>>) target(%dma_start3A_17 : memref<96x128xf32, #tpu.memory_space<vmem>>) offsets(%dma_start3A_19 : memref<96xi32, #tpu.memory_space<vmem>>) semaphore(%arg10 : memref<!tpu.dma_semaphore, #tpu.memory_space<semaphore_mem>>)
    %dma_wait3A_23 = arith.constant 0 : i32
    %dma_wait3A_24 = arith.constant 0 : i32
    %dma_wait3A_25 = tpu.memref_slice %arg8[%dma_wait3A_23, %dma_wait3A_24] : memref<96x128xf32, #tpu.memory_space<vmem>> -> memref<96x128xf32, #tpu.memory_space<vmem>>
    %dma_wait3A_26 = arith.constant 0 : i32
    %dma_wait3A_27 = tpu.memref_slice %arg7[%dma_wait3A_26] : memref<96xi32, #tpu.memory_space<vmem>> -> memref<96xi32, #tpu.memory_space<vmem>>
    %dma_wait3A_28 = arith.constant 0 : i32
    %dma_wait3A_29 = arith.constant 0 : i32
    %dma_wait3A_30 = tpu.memref_slice %arg2[%dma_wait3A_28, %dma_wait3A_29] : memref<10000x128xf32, #tpu.memory_space<hbm>> -> memref<10000x128xf32, #tpu.memory_space<hbm>>
    tpu.wait_indirect_dma semaphore(%arg10 : memref<!tpu.dma_semaphore, #tpu.memory_space<semaphore_mem>>) src(%dma_wait3A_30 : memref<10000x128xf32, #tpu.memory_space<hbm>>) dst(%dma_wait3A_25 : memref<96x128xf32, #tpu.memory_space<vmem>>)
    "tpu.region"() ({
      %run_scoped3A = tpu.sem_alloc : memref<!tpu.dma_semaphore, #tpu.memory_space<semaphore_mem>>
      %dma_start3A_31 = arith.constant 0 : i32
      %dma_start3A_32 = tpu.memref_slice %arg5[%mul3A_2, %dma_start3A_31] : memref<3072x128xf32, #tpu.memory_space<hbm>> -> memref<96x128xf32, #tpu.memory_space<hbm>>
      %dma_start3A_33 = arith.constant 0 : i32
      %dma_start3A_34 = tpu.memref_slice %arg5[%mul3A_2, %dma_start3A_33] : memref<3072x128xf32, #tpu.memory_space<hbm>> -> memref<96x128xf32, #tpu.memory_space<hbm>>
      tpu.enqueue_dma source(%arg8 : memref<96x128xf32, #tpu.memory_space<vmem>>) target(%dma_start3A_34 : memref<96x128xf32, #tpu.memory_space<hbm>>) target_semaphore(%run_scoped3A : memref<!tpu.dma_semaphore, #tpu.memory_space<semaphore_mem>>)
      %dma_wait3A_35 = arith.constant 0 : i32
      %dma_wait3A_36 = tpu.memref_slice %arg5[%mul3A_2, %dma_wait3A_35] : memref<3072x128xf32, #tpu.memory_space<hbm>> -> memref<96x128xf32, #tpu.memory_space<hbm>>
      %dma_wait3A_37 = arith.constant 0 : i32
      %dma_wait3A_38 = tpu.memref_slice %arg5[%mul3A_2, %dma_wait3A_37] : memref<3072x128xf32, #tpu.memory_space<hbm>> -> memref<96x128xf32, #tpu.memory_space<hbm>>
      tpu.wait_dma2 semaphore(%run_scoped3A : memref<!tpu.dma_semaphore, #tpu.memory_space<semaphore_mem>>) src(%arg8 : memref<96x128xf32, #tpu.memory_space<vmem>>) dst(%dma_wait3A_38 : memref<96x128xf32, #tpu.memory_space<hbm>>)
      tpu.yield
    }) : () -> ()
    return
  }
}

#map = affine_map<(d0, d1) -> (0, 0)>
#map1 = affine_map<(d0, d1) -> (0)>
module attributes {stable_mosaic.version = 14 : i64} {
  func.func @k(%arg0: i32, %arg1: i32, %arg2: memref<10000x128xf32, #tpu.memory_space<hbm>>, %arg3: memref<10000xi32, #tpu.memory_space<hbm>>, %arg4: memref<10240xi32, #tpu.memory_space<hbm>>, %arg5: memref<5120x128xf32, #tpu.memory_space<hbm>>, %arg6: memref<160xi32, #tpu.memory_space<vmem>>, %arg7: memref<160xi32, #tpu.memory_space<vmem>>, %arg8: memref<160x128xf32, #tpu.memory_space<vmem>>, %arg9: memref<!tpu.dma_semaphore, #tpu.memory_space<semaphore_mem>>, %arg10: memref<!tpu.dma_semaphore, #tpu.memory_space<semaphore_mem>>) attributes {dimension_semantics = [#tpu.dimension_semantics<core_parallel>, #tpu.dimension_semantics<subcore_parallel>], iteration_bounds = array<i64: 2, 16>, scalar_prefetch = 0 : i64, scratch_operands = 5 : i64, tpu.core_type = #tpu.core_type<sc_vector_subcore>, window_params = [{transform_indices = #map}, {transform_indices = #map1}, {transform_indices = #map1}, {transform_indices = #map}]} {
    %mul3A = arith.constant 2 : i32
    %mul3A_0 = arith.muli %arg1, %mul3A : i32
    %add3A = arith.addi %mul3A_0, %arg0 : i32
    %mul3A_1 = arith.constant 160 : i32
    %mul3A_2 = arith.muli %add3A, %mul3A_1 : i32
    %add3A_3 = arith.constant 5120 : i32
    %add3A_4 = arith.addi %add3A_3, %mul3A_2 : i32
    "tpu.region"() ({
      %run_scoped3A = tpu.sem_alloc : memref<!tpu.dma_semaphore, #tpu.memory_space<semaphore_mem>>
      %dma_start3A_59 = tpu.memref_slice %arg4[%add3A_4] : memref<10240xi32, #tpu.memory_space<hbm>> -> memref<160xi32, #tpu.memory_space<hbm>>
      %dma_start3A_60 = tpu.memref_slice %arg4[%add3A_4] : memref<10240xi32, #tpu.memory_space<hbm>> -> memref<160xi32, #tpu.memory_space<hbm>>
      tpu.enqueue_dma source(%dma_start3A_60 : memref<160xi32, #tpu.memory_space<hbm>>) target(%arg6 : memref<160xi32, #tpu.memory_space<vmem>>) target_semaphore(%run_scoped3A : memref<!tpu.dma_semaphore, #tpu.memory_space<semaphore_mem>>)
      %dma_wait3A_61 = tpu.memref_slice %arg4[%add3A_4] : memref<10240xi32, #tpu.memory_space<hbm>> -> memref<160xi32, #tpu.memory_space<hbm>>
      %dma_wait3A_62 = tpu.memref_slice %arg4[%add3A_4] : memref<10240xi32, #tpu.memory_space<hbm>> -> memref<160xi32, #tpu.memory_space<hbm>>
      tpu.wait_dma2 semaphore(%run_scoped3A : memref<!tpu.dma_semaphore, #tpu.memory_space<semaphore_mem>>) src(%dma_wait3A_62 : memref<160xi32, #tpu.memory_space<hbm>>) dst(%arg6 : memref<160xi32, #tpu.memory_space<vmem>>)
      tpu.yield
    }) : () -> ()
    %dma_start3A = arith.constant 0 : i32
    %dma_start3A_5 = tpu.memref_slice %arg7[%dma_start3A] : memref<160xi32, #tpu.memory_space<vmem>> -> memref<80xi32, #tpu.memory_space<vmem>>
    %dma_start3A_6 = arith.constant 0 : i32
    %dma_start3A_7 = tpu.memref_slice %arg6[%dma_start3A_6] : memref<160xi32, #tpu.memory_space<vmem>> -> memref<80xi32, #tpu.memory_space<vmem>>
    %dma_start3A_8 = arith.constant 0 : i32
    %dma_start3A_9 = tpu.memref_slice %arg3[%dma_start3A_8] : memref<10000xi32, #tpu.memory_space<hbm>> -> memref<10000xi32, #tpu.memory_space<hbm>>
    tpu.enqueue_indirect_dma source(%dma_start3A_9 : memref<10000xi32, #tpu.memory_space<hbm>>) target(%dma_start3A_5 : memref<80xi32, #tpu.memory_space<vmem>>) offsets(%dma_start3A_7 : memref<80xi32, #tpu.memory_space<vmem>>) semaphore(%arg9 : memref<!tpu.dma_semaphore, #tpu.memory_space<semaphore_mem>>)
    %dma_start3A_10 = arith.constant 80 : i32
    %dma_start3A_11 = tpu.memref_slice %arg7[%dma_start3A_10] : memref<160xi32, #tpu.memory_space<vmem>> -> memref<80xi32, #tpu.memory_space<vmem>>
    %dma_start3A_12 = arith.constant 80 : i32
    %dma_start3A_13 = tpu.memref_slice %arg6[%dma_start3A_12] : memref<160xi32, #tpu.memory_space<vmem>> -> memref<80xi32, #tpu.memory_space<vmem>>
    %dma_start3A_14 = arith.constant 0 : i32
    %dma_start3A_15 = tpu.memref_slice %arg3[%dma_start3A_14] : memref<10000xi32, #tpu.memory_space<hbm>> -> memref<10000xi32, #tpu.memory_space<hbm>>
    tpu.enqueue_indirect_dma source(%dma_start3A_15 : memref<10000xi32, #tpu.memory_space<hbm>>) target(%dma_start3A_11 : memref<80xi32, #tpu.memory_space<vmem>>) offsets(%dma_start3A_13 : memref<80xi32, #tpu.memory_space<vmem>>) semaphore(%arg9 : memref<!tpu.dma_semaphore, #tpu.memory_space<semaphore_mem>>)
    %dma_wait3A = arith.constant 0 : i32
    %dma_wait3A_16 = tpu.memref_slice %arg7[%dma_wait3A] : memref<160xi32, #tpu.memory_space<vmem>> -> memref<80xi32, #tpu.memory_space<vmem>>
    %dma_wait3A_17 = arith.constant 0 : i32
    %dma_wait3A_18 = tpu.memref_slice %arg6[%dma_wait3A_17] : memref<160xi32, #tpu.memory_space<vmem>> -> memref<80xi32, #tpu.memory_space<vmem>>
    %dma_wait3A_19 = arith.constant 0 : i32
    %dma_wait3A_20 = tpu.memref_slice %arg3[%dma_wait3A_19] : memref<10000xi32, #tpu.memory_space<hbm>> -> memref<10000xi32, #tpu.memory_space<hbm>>
    tpu.wait_indirect_dma semaphore(%arg9 : memref<!tpu.dma_semaphore, #tpu.memory_space<semaphore_mem>>) src(%dma_wait3A_20 : memref<10000xi32, #tpu.memory_space<hbm>>) dst(%dma_wait3A_16 : memref<80xi32, #tpu.memory_space<vmem>>)
    %dma_start3A_21 = arith.constant 0 : i32
    %dma_start3A_22 = arith.constant 0 : i32
    %dma_start3A_23 = tpu.memref_slice %arg8[%dma_start3A_21, %dma_start3A_22] : memref<160x128xf32, #tpu.memory_space<vmem>> -> memref<80x128xf32, #tpu.memory_space<vmem>>
    %dma_start3A_24 = arith.constant 0 : i32
    %dma_start3A_25 = tpu.memref_slice %arg7[%dma_start3A_24] : memref<160xi32, #tpu.memory_space<vmem>> -> memref<80xi32, #tpu.memory_space<vmem>>
    %dma_start3A_26 = arith.constant 0 : i32
    %dma_start3A_27 = arith.constant 0 : i32
    %dma_start3A_28 = tpu.memref_slice %arg2[%dma_start3A_26, %dma_start3A_27] : memref<10000x128xf32, #tpu.memory_space<hbm>> -> memref<10000x128xf32, #tpu.memory_space<hbm>>
    tpu.enqueue_indirect_dma source(%dma_start3A_28 : memref<10000x128xf32, #tpu.memory_space<hbm>>) target(%dma_start3A_23 : memref<80x128xf32, #tpu.memory_space<vmem>>) offsets(%dma_start3A_25 : memref<80xi32, #tpu.memory_space<vmem>>) semaphore(%arg10 : memref<!tpu.dma_semaphore, #tpu.memory_space<semaphore_mem>>)
    %dma_wait3A_29 = arith.constant 80 : i32
    %dma_wait3A_30 = tpu.memref_slice %arg7[%dma_wait3A_29] : memref<160xi32, #tpu.memory_space<vmem>> -> memref<80xi32, #tpu.memory_space<vmem>>
    %dma_wait3A_31 = arith.constant 80 : i32
    %dma_wait3A_32 = tpu.memref_slice %arg6[%dma_wait3A_31] : memref<160xi32, #tpu.memory_space<vmem>> -> memref<80xi32, #tpu.memory_space<vmem>>
    %dma_wait3A_33 = arith.constant 0 : i32
    %dma_wait3A_34 = tpu.memref_slice %arg3[%dma_wait3A_33] : memref<10000xi32, #tpu.memory_space<hbm>> -> memref<10000xi32, #tpu.memory_space<hbm>>
    tpu.wait_indirect_dma semaphore(%arg9 : memref<!tpu.dma_semaphore, #tpu.memory_space<semaphore_mem>>) src(%dma_wait3A_34 : memref<10000xi32, #tpu.memory_space<hbm>>) dst(%dma_wait3A_30 : memref<80xi32, #tpu.memory_space<vmem>>)
    %dma_start3A_35 = arith.constant 80 : i32
    %dma_start3A_36 = arith.constant 0 : i32
    %dma_start3A_37 = tpu.memref_slice %arg8[%dma_start3A_35, %dma_start3A_36] : memref<160x128xf32, #tpu.memory_space<vmem>> -> memref<80x128xf32, #tpu.memory_space<vmem>>
    %dma_start3A_38 = arith.constant 80 : i32
    %dma_start3A_39 = tpu.memref_slice %arg7[%dma_start3A_38] : memref<160xi32, #tpu.memory_space<vmem>> -> memref<80xi32, #tpu.memory_space<vmem>>
    %dma_start3A_40 = arith.constant 0 : i32
    %dma_start3A_41 = arith.constant 0 : i32
    %dma_start3A_42 = tpu.memref_slice %arg2[%dma_start3A_40, %dma_start3A_41] : memref<10000x128xf32, #tpu.memory_space<hbm>> -> memref<10000x128xf32, #tpu.memory_space<hbm>>
    tpu.enqueue_indirect_dma source(%dma_start3A_42 : memref<10000x128xf32, #tpu.memory_space<hbm>>) target(%dma_start3A_37 : memref<80x128xf32, #tpu.memory_space<vmem>>) offsets(%dma_start3A_39 : memref<80xi32, #tpu.memory_space<vmem>>) semaphore(%arg10 : memref<!tpu.dma_semaphore, #tpu.memory_space<semaphore_mem>>)
    %dma_wait3A_43 = arith.constant 0 : i32
    %dma_wait3A_44 = arith.constant 0 : i32
    %dma_wait3A_45 = tpu.memref_slice %arg8[%dma_wait3A_43, %dma_wait3A_44] : memref<160x128xf32, #tpu.memory_space<vmem>> -> memref<80x128xf32, #tpu.memory_space<vmem>>
    %dma_wait3A_46 = arith.constant 0 : i32
    %dma_wait3A_47 = tpu.memref_slice %arg7[%dma_wait3A_46] : memref<160xi32, #tpu.memory_space<vmem>> -> memref<80xi32, #tpu.memory_space<vmem>>
    %dma_wait3A_48 = arith.constant 0 : i32
    %dma_wait3A_49 = arith.constant 0 : i32
    %dma_wait3A_50 = tpu.memref_slice %arg2[%dma_wait3A_48, %dma_wait3A_49] : memref<10000x128xf32, #tpu.memory_space<hbm>> -> memref<10000x128xf32, #tpu.memory_space<hbm>>
    tpu.wait_indirect_dma semaphore(%arg10 : memref<!tpu.dma_semaphore, #tpu.memory_space<semaphore_mem>>) src(%dma_wait3A_50 : memref<10000x128xf32, #tpu.memory_space<hbm>>) dst(%dma_wait3A_45 : memref<80x128xf32, #tpu.memory_space<vmem>>)
    %dma_wait3A_51 = arith.constant 80 : i32
    %dma_wait3A_52 = arith.constant 0 : i32
    %dma_wait3A_53 = tpu.memref_slice %arg8[%dma_wait3A_51, %dma_wait3A_52] : memref<160x128xf32, #tpu.memory_space<vmem>> -> memref<80x128xf32, #tpu.memory_space<vmem>>
    %dma_wait3A_54 = arith.constant 80 : i32
    %dma_wait3A_55 = tpu.memref_slice %arg7[%dma_wait3A_54] : memref<160xi32, #tpu.memory_space<vmem>> -> memref<80xi32, #tpu.memory_space<vmem>>
    %dma_wait3A_56 = arith.constant 0 : i32
    %dma_wait3A_57 = arith.constant 0 : i32
    %dma_wait3A_58 = tpu.memref_slice %arg2[%dma_wait3A_56, %dma_wait3A_57] : memref<10000x128xf32, #tpu.memory_space<hbm>> -> memref<10000x128xf32, #tpu.memory_space<hbm>>
    tpu.wait_indirect_dma semaphore(%arg10 : memref<!tpu.dma_semaphore, #tpu.memory_space<semaphore_mem>>) src(%dma_wait3A_58 : memref<10000x128xf32, #tpu.memory_space<hbm>>) dst(%dma_wait3A_53 : memref<80x128xf32, #tpu.memory_space<vmem>>)
    "tpu.region"() ({
      %run_scoped3A = tpu.sem_alloc : memref<!tpu.dma_semaphore, #tpu.memory_space<semaphore_mem>>
      %dma_start3A_59 = arith.constant 0 : i32
      %dma_start3A_60 = tpu.memref_slice %arg5[%mul3A_2, %dma_start3A_59] : memref<5120x128xf32, #tpu.memory_space<hbm>> -> memref<160x128xf32, #tpu.memory_space<hbm>>
      %dma_start3A_61 = arith.constant 0 : i32
      %dma_start3A_62 = tpu.memref_slice %arg5[%mul3A_2, %dma_start3A_61] : memref<5120x128xf32, #tpu.memory_space<hbm>> -> memref<160x128xf32, #tpu.memory_space<hbm>>
      tpu.enqueue_dma source(%arg8 : memref<160x128xf32, #tpu.memory_space<vmem>>) target(%dma_start3A_62 : memref<160x128xf32, #tpu.memory_space<hbm>>) target_semaphore(%run_scoped3A : memref<!tpu.dma_semaphore, #tpu.memory_space<semaphore_mem>>)
      %dma_wait3A_63 = arith.constant 0 : i32
      %dma_wait3A_64 = tpu.memref_slice %arg5[%mul3A_2, %dma_wait3A_63] : memref<5120x128xf32, #tpu.memory_space<hbm>> -> memref<160x128xf32, #tpu.memory_space<hbm>>
      %dma_wait3A_65 = arith.constant 0 : i32
      %dma_wait3A_66 = tpu.memref_slice %arg5[%mul3A_2, %dma_wait3A_65] : memref<5120x128xf32, #tpu.memory_space<hbm>> -> memref<160x128xf32, #tpu.memory_space<hbm>>
      tpu.wait_dma2 semaphore(%run_scoped3A : memref<!tpu.dma_semaphore, #tpu.memory_space<semaphore_mem>>) src(%arg8 : memref<160x128xf32, #tpu.memory_space<vmem>>) dst(%dma_wait3A_66 : memref<160x128xf32, #tpu.memory_space<hbm>>)
      tpu.yield
    }) : () -> ()
    return
  }
}

module attributes {stable_mosaic.version = 14 : i64} {
  func.func @body(%arg0: i32, %arg1: memref<1024x2816xf32, #tpu.memory_space<vmem>>, %arg2: memref<1024x128xf32, #tpu.memory_space<vmem>>, %arg3: memref<2816x128xf32, #tpu.memory_space<vmem>>, %arg4: memref<3072x128xf32, #tpu.memory_space<vmem>>, %arg5: memref<256x128xf32, #tpu.memory_space<vmem>>, %arg6: memref<2816x128xf32, #tpu.memory_space<vmem>>, %arg7: memref<2816x128xf32, #tpu.memory_space<vmem>>) attributes {dimension_semantics = [#tpu.dimension_semantics<arbitrary>], iteration_bounds = array<i64: 5>, scalar_prefetch = 0 : i64, scratch_operands = 1 : i64, tpu.core_type = #tpu.core_type<tc>, window_params = [{transform_indices = @transform_0, window_bounds = array<i64: 1024, 2816>}, {transform_indices = @transform_1, window_bounds = array<i64: 1024, 128>}, {pipeline_mode = #tpu.pipeline_mode<synchronous>, transform_indices = @transform_2, window_bounds = array<i64: 2816, 128>}, {pipeline_mode = #tpu.pipeline_mode<synchronous>, transform_indices = @transform_3, window_bounds = array<i64: 3072, 128>}, {pipeline_mode = #tpu.pipeline_mode<synchronous>, transform_indices = @transform_4, window_bounds = array<i64: 256, 128>}, {pipeline_mode = #tpu.pipeline_mode<synchronous>, transform_indices = @transform_5, window_bounds = array<i64: 2816, 128>}]} {
    %eq3A = arith.constant 0 : i32
    %eq3A_0 = arith.cmpi eq, %arg0, %eq3A : i32
    %convert_element_type3A = arith.extui %eq3A_0 : i1 to i32
    %cond3A = arith.constant 0 : i32
    %cond3A_1 = arith.cmpi ne, %convert_element_type3A, %cond3A : i32
    scf.if %cond3A_1 {
      %broadcast_in_dim3A = arith.constant 0.000000e+00 : f32
      %broadcast_in_dim3A_11 = vector.broadcast %broadcast_in_dim3A : f32 to vector<2816x128xf32>
      %swap3A = arith.constant 0 : index
      %swap3A_12 = arith.constant 0 : index
      %swap3A_13 = vector.load %arg7[%swap3A, %swap3A_12] : memref<2816x128xf32, #tpu.memory_space<vmem>>, vector<2816x128xf32>
      tpu.vector_store %arg7[%swap3A, %swap3A_12], %broadcast_in_dim3A_11 {strides = array<i32>} : memref<2816x128xf32, #tpu.memory_space<vmem>>, vector<2816x128xf32>,
    } else {
    }
    %lt3A = arith.constant 4 : i32
    %lt3A_2 = arith.cmpi slt, %arg0, %lt3A : i32
    %convert_element_type3A_3 = arith.extui %lt3A_2 : i1 to i32
    %cond3A_4 = arith.constant 0 : i32
    %cond3A_5 = arith.cmpi ne, %convert_element_type3A_3, %cond3A_4 : i32
    scf.if %cond3A_5 {
      %get3A = arith.constant 0 : index
      %get3A_11 = arith.constant 0 : index
      %get3A_12 = vector.load %arg7[%get3A, %get3A_11] : memref<2816x128xf32, #tpu.memory_space<vmem>>, vector<2816x128xf32>
      %get3A_13 = arith.constant 0 : index
      %get3A_14 = arith.constant 0 : index
      %get3A_15 = vector.load %arg1[%get3A_13, %get3A_14] : memref<1024x2816xf32, #tpu.memory_space<vmem>>, vector<1024x2816xf32>
      %get3A_16 = arith.constant 0 : index
      %get3A_17 = arith.constant 0 : index
      %get3A_18 = vector.load %arg2[%get3A_16, %get3A_17] : memref<1024x128xf32, #tpu.memory_space<vmem>>, vector<1024x128xf32>
      %dot_general3A = arith.constant dense<0.000000e+00> : vector<2816x128xf32>
      %dot_general3A_19 = tpu.matmul %get3A_15, %get3A_18, %dot_general3A {dimension_numbers = #tpu.dot_dimension_numbers<[0], [0], [1], [1], [0, 1, 1, 1], [], []>, transpose_lhs_hint = false} : vector<1024x2816xf32>, vector<1024x128xf32>, vector<2816x128xf32> -> vector<2816x128xf32>
      %add3A = arith.addf %get3A_12, %dot_general3A_19 : vector<2816x128xf32>
      %swap3A = arith.constant 0 : index
      %swap3A_20 = arith.constant 0 : index
      %swap3A_21 = vector.load %arg7[%swap3A, %swap3A_20] : memref<2816x128xf32, #tpu.memory_space<vmem>>, vector<2816x128xf32>
      tpu.vector_store %arg7[%swap3A, %swap3A_20], %add3A {strides = array<i32>} : memref<2816x128xf32, #tpu.memory_space<vmem>>, vector<2816x128xf32>,
    } else {
    }
    %eq3A_6 = arith.constant 4 : i32
    %eq3A_7 = arith.cmpi eq, %arg0, %eq3A_6 : i32
    %convert_element_type3A_8 = arith.extui %eq3A_7 : i1 to i32
    %cond3A_9 = arith.constant 0 : i32
    %cond3A_10 = arith.cmpi ne, %convert_element_type3A_8, %cond3A_9 : i32
    scf.if %cond3A_10 {
      %get3A = arith.constant 0 : index
      %get3A_11 = arith.constant 0 : index
      %get3A_12 = vector.load %arg1[%get3A, %get3A_11] : memref<1024x2816xf32, #tpu.memory_space<vmem>>, vector<1024x2816xf32>
      %iota3A = tpu.iota {dimensions = array<i32: 0>} : vector<1024x2816xi32>
      %lt3A_13 = arith.constant 784 : i32
      %lt3A_14 = vector.broadcast %lt3A_13 : i32 to vector<1024x2816xi32>
      %lt3A_15 = arith.cmpi slt, %iota3A, %lt3A_14 : vector<1024x2816xi32>
      %jit3A = arith.constant 0.000000e+00 : f32
      %broadcast_in_dim3A = vector.broadcast %jit3A : f32 to vector<1024x2816xf32>
      %select_n3A = arith.select %lt3A_15, %get3A_12, %broadcast_in_dim3A : vector<1024x2816xi1>, vector<1024x2816xf32>
      %get3A_16 = arith.constant 0 : index
      %get3A_17 = arith.constant 0 : index
      %get3A_18 = vector.load %arg7[%get3A_16, %get3A_17] : memref<2816x128xf32, #tpu.memory_space<vmem>>, vector<2816x128xf32>
      %get3A_19 = arith.constant 0 : index
      %get3A_20 = arith.constant 0 : index
      %get3A_21 = vector.load %arg2[%get3A_19, %get3A_20] : memref<1024x128xf32, #tpu.memory_space<vmem>>, vector<1024x128xf32>
      %dot_general3A = arith.constant dense<0.000000e+00> : vector<2816x128xf32>
      %dot_general3A_22 = tpu.matmul %select_n3A, %get3A_21, %dot_general3A {dimension_numbers = #tpu.dot_dimension_numbers<[0], [0], [1], [1], [0, 1, 1, 1], [], []>, transpose_lhs_hint = false} : vector<1024x2816xf32>, vector<1024x128xf32>, vector<2816x128xf32> -> vector<2816x128xf32>
      %add3A = arith.addf %get3A_18, %dot_general3A_22 : vector<2816x128xf32>
      %get3A_23 = arith.constant 0 : index
      %get3A_24 = arith.constant 0 : index
      %get3A_25 = vector.load %arg3[%get3A_23, %get3A_24] : memref<2816x128xf32, #tpu.memory_space<vmem>>, vector<2816x128xf32>
      %add3A_26 = arith.addf %add3A, %get3A_25 : vector<2816x128xf32>
      %get3A_27 = arith.constant 0 : index
      %get3A_28 = arith.constant 0 : index
      %get3A_29 = vector.load %arg5[%get3A_27, %get3A_28] : memref<256x128xf32, #tpu.memory_space<vmem>>, vector<128x128xf32>
      %dot_general3A_30 = arith.constant dense<0.000000e+00> : vector<2816x128xf32>
      %dot_general3A_31 = tpu.matmul %add3A_26, %get3A_29, %dot_general3A_30 {dimension_numbers = #tpu.dot_dimension_numbers<[1], [0], [0], [1], [0, 0, 1, 1], [], []>, transpose_lhs_hint = false} : vector<2816x128xf32>, vector<128x128xf32>, vector<2816x128xf32> -> vector<2816x128xf32>
      %get3A_32 = arith.constant 0 : index
      %get3A_33 = arith.constant 0 : index
      %get3A_34 = vector.load %arg4[%get3A_32, %get3A_33] : memref<3072x128xf32, #tpu.memory_space<vmem>>, vector<2816x128xf32>
      %get3A_35 = arith.constant 128 : index
      %get3A_36 = arith.constant 0 : index
      %get3A_37 = vector.load %arg5[%get3A_35, %get3A_36] : memref<256x128xf32, #tpu.memory_space<vmem>>, vector<128x128xf32>
      %dot_general3A_38 = arith.constant dense<0.000000e+00> : vector<2816x128xf32>
      %dot_general3A_39 = tpu.matmul %get3A_34, %get3A_37, %dot_general3A_38 {dimension_numbers = #tpu.dot_dimension_numbers<[1], [0], [0], [1], [0, 0, 1, 1], [], []>, transpose_lhs_hint = false} : vector<2816x128xf32>, vector<128x128xf32>, vector<2816x128xf32> -> vector<2816x128xf32>
      %add3A_40 = arith.addf %dot_general3A_31, %dot_general3A_39 : vector<2816x128xf32>
      %max3A = arith.constant 0.000000e+00 : f32
      %max3A_41 = vector.broadcast %max3A : f32 to vector<2816x128xf32>
      %max3A_42 = arith.maximumf %add3A_40, %max3A_41 : vector<2816x128xf32>
      %swap3A = arith.constant 0 : index
      %swap3A_43 = arith.constant 0 : index
      %swap3A_44 = vector.load %arg6[%swap3A, %swap3A_43] : memref<2816x128xf32, #tpu.memory_space<vmem>>, vector<2816x128xf32>
      tpu.vector_store %arg6[%swap3A, %swap3A_43], %max3A_42 {strides = array<i32>} : memref<2816x128xf32, #tpu.memory_space<vmem>>, vector<2816x128xf32>,
    } else {
    }
    return
  }
  func.func @transform_0(%arg0: i32) -> (i32, i32) {
    %add3A = arith.constant 5 : i32
    %add3A_0 = arith.addi %arg0, %add3A : i32
    %c0_i32 = arith.constant 0 : i32
    %c0_i32_1 = arith.constant 0 : i32
    return %add3A_0, %c0_i32 : i32, i32
  }
  func.func @transform_1(%arg0: i32) -> (i32, i32) {
    %c0_i32 = arith.constant 0 : i32
    %c0_i32_0 = arith.constant 0 : i32
    return %arg0, %c0_i32 : i32, i32
  }
  func.func @transform_2(%arg0: i32) -> (i32, i32) {
    %c0_i32 = arith.constant 0 : i32
    %c0_i32_0 = arith.constant 0 : i32
    %c0_i32_1 = arith.constant 0 : i32
    return %c0_i32, %c0_i32_0 : i32, i32
  }
  func.func @transform_3(%arg0: i32) -> (i32, i32) {
    %c0_i32 = arith.constant 0 : i32
    %c0_i32_0 = arith.constant 0 : i32
    %c0_i32_1 = arith.constant 0 : i32
    return %c0_i32, %c0_i32_0 : i32, i32
  }
  func.func @transform_4(%arg0: i32) -> (i32, i32) {
    %c0_i32 = arith.constant 0 : i32
    %c0_i32_0 = arith.constant 0 : i32
    %c0_i32_1 = arith.constant 0 : i32
    return %c0_i32, %c0_i32_0 : i32, i32
  }
  func.func @transform_5(%arg0: i32) -> (i32, i32) {
    %c0_i32 = arith.constant 0 : i32
    %c0_i32_0 = arith.constant 0 : i32
    %c0_i32_1 = arith.constant 0 : i32
    return %c0_i32, %c0_i32_0 : i32, i32
  }
}

module attributes {stable_mosaic.version = 14 : i64} {
  func.func @body(%arg0: i32, %arg1: memref<1024x2816xf32, #tpu.memory_space<vmem>>, %arg2: memref<1024x128xf32, #tpu.memory_space<vmem>>, %arg3: memref<2816x128xf32, #tpu.memory_space<vmem>>, %arg4: memref<2816x128xf32, #tpu.memory_space<vmem>>) attributes {dimension_semantics = [#tpu.dimension_semantics<arbitrary>], iteration_bounds = array<i64: 5>, scalar_prefetch = 0 : i64, scratch_operands = 1 : i64, tpu.core_type = #tpu.core_type<tc>, window_params = [{transform_indices = @transform_0, window_bounds = array<i64: 1024, 2816>}, {transform_indices = @transform_1, window_bounds = array<i64: 1024, 128>}, {pipeline_mode = #tpu.pipeline_mode<synchronous>, transform_indices = @transform_2, window_bounds = array<i64: 2816, 128>}]} {
    %eq3A = arith.constant 0 : i32
    %eq3A_0 = arith.cmpi eq, %arg0, %eq3A : i32
    %convert_element_type3A = arith.extui %eq3A_0 : i1 to i32
    %cond3A = arith.constant 0 : i32
    %cond3A_1 = arith.cmpi ne, %convert_element_type3A, %cond3A : i32
    scf.if %cond3A_1 {
      %broadcast_in_dim3A = arith.constant 0.000000e+00 : f32
      %broadcast_in_dim3A_11 = vector.broadcast %broadcast_in_dim3A : f32 to vector<2816x128xf32>
      %swap3A = arith.constant 0 : index
      %swap3A_12 = arith.constant 0 : index
      %swap3A_13 = vector.load %arg4[%swap3A, %swap3A_12] : memref<2816x128xf32, #tpu.memory_space<vmem>>, vector<2816x128xf32>
      tpu.vector_store %arg4[%swap3A, %swap3A_12], %broadcast_in_dim3A_11 {strides = array<i32>} : memref<2816x128xf32, #tpu.memory_space<vmem>>, vector<2816x128xf32>,
    } else {
    }
    %lt3A = arith.constant 4 : i32
    %lt3A_2 = arith.cmpi slt, %arg0, %lt3A : i32
    %convert_element_type3A_3 = arith.extui %lt3A_2 : i1 to i32
    %cond3A_4 = arith.constant 0 : i32
    %cond3A_5 = arith.cmpi ne, %convert_element_type3A_3, %cond3A_4 : i32
    scf.if %cond3A_5 {
      %get3A = arith.constant 0 : index
      %get3A_11 = arith.constant 0 : index
      %get3A_12 = vector.load %arg4[%get3A, %get3A_11] : memref<2816x128xf32, #tpu.memory_space<vmem>>, vector<2816x128xf32>
      %get3A_13 = arith.constant 0 : index
      %get3A_14 = arith.constant 0 : index
      %get3A_15 = vector.load %arg1[%get3A_13, %get3A_14] : memref<1024x2816xf32, #tpu.memory_space<vmem>>, vector<1024x2816xf32>
      %get3A_16 = arith.constant 0 : index
      %get3A_17 = arith.constant 0 : index
      %get3A_18 = vector.load %arg2[%get3A_16, %get3A_17] : memref<1024x128xf32, #tpu.memory_space<vmem>>, vector<1024x128xf32>
      %dot_general3A = arith.constant dense<0.000000e+00> : vector<2816x128xf32>
      %dot_general3A_19 = tpu.matmul %get3A_15, %get3A_18, %dot_general3A {dimension_numbers = #tpu.dot_dimension_numbers<[0], [0], [1], [1], [0, 1, 1, 1], [], []>, transpose_lhs_hint = false} : vector<1024x2816xf32>, vector<1024x128xf32>, vector<2816x128xf32> -> vector<2816x128xf32>
      %add3A = arith.addf %get3A_12, %dot_general3A_19 : vector<2816x128xf32>
      %swap3A = arith.constant 0 : index
      %swap3A_20 = arith.constant 0 : index
      %swap3A_21 = vector.load %arg4[%swap3A, %swap3A_20] : memref<2816x128xf32, #tpu.memory_space<vmem>>, vector<2816x128xf32>
      tpu.vector_store %arg4[%swap3A, %swap3A_20], %add3A {strides = array<i32>} : memref<2816x128xf32, #tpu.memory_space<vmem>>, vector<2816x128xf32>,
    } else {
    }
    %eq3A_6 = arith.constant 4 : i32
    %eq3A_7 = arith.cmpi eq, %arg0, %eq3A_6 : i32
    %convert_element_type3A_8 = arith.extui %eq3A_7 : i1 to i32
    %cond3A_9 = arith.constant 0 : i32
    %cond3A_10 = arith.cmpi ne, %convert_element_type3A_8, %cond3A_9 : i32
    scf.if %cond3A_10 {
      %get3A = arith.constant 0 : index
      %get3A_11 = arith.constant 0 : index
      %get3A_12 = vector.load %arg1[%get3A, %get3A_11] : memref<1024x2816xf32, #tpu.memory_space<vmem>>, vector<1024x2816xf32>
      %get3A_13 = arith.constant 0 : index
      %get3A_14 = arith.constant 0 : index
      %get3A_15 = vector.load %arg4[%get3A_13, %get3A_14] : memref<2816x128xf32, #tpu.memory_space<vmem>>, vector<2816x128xf32>
      %get3A_16 = arith.constant 0 : index
      %get3A_17 = arith.constant 0 : index
      %get3A_18 = vector.load %arg2[%get3A_16, %get3A_17] : memref<1024x128xf32, #tpu.memory_space<vmem>>, vector<1024x128xf32>
      %dot_general3A = arith.constant dense<0.000000e+00> : vector<2816x128xf32>
      %dot_general3A_19 = tpu.matmul %get3A_12, %get3A_18, %dot_general3A {dimension_numbers = #tpu.dot_dimension_numbers<[0], [0], [1], [1], [0, 1, 1, 1], [], []>, transpose_lhs_hint = false} : vector<1024x2816xf32>, vector<1024x128xf32>, vector<2816x128xf32> -> vector<2816x128xf32>
      %add3A = arith.addf %get3A_15, %dot_general3A_19 : vector<2816x128xf32>
      %swap3A = arith.constant 0 : index
      %swap3A_20 = arith.constant 0 : index
      %swap3A_21 = vector.load %arg3[%swap3A, %swap3A_20] : memref<2816x128xf32, #tpu.memory_space<vmem>>, vector<2816x128xf32>
      tpu.vector_store %arg3[%swap3A, %swap3A_20], %add3A {strides = array<i32>} : memref<2816x128xf32, #tpu.memory_space<vmem>>, vector<2816x128xf32>,
    } else {
    }
    return
  }
  func.func @transform_0(%arg0: i32) -> (i32, i32) {
    %add3A = arith.constant 0 : i32
    %add3A_0 = arith.addi %arg0, %add3A : i32
    %c0_i32 = arith.constant 0 : i32
    %c0_i32_1 = arith.constant 0 : i32
    return %add3A_0, %c0_i32 : i32, i32
  }
  func.func @transform_1(%arg0: i32) -> (i32, i32) {
    %c0_i32 = arith.constant 0 : i32
    %c0_i32_0 = arith.constant 0 : i32
    return %arg0, %c0_i32 : i32, i32
  }
  func.func @transform_2(%arg0: i32) -> (i32, i32) {
    %c0_i32 = arith.constant 0 : i32
    %c0_i32_0 = arith.constant 0 : i32
    %c0_i32_1 = arith.constant 0 : i32
    return %c0_i32, %c0_i32_0 : i32, i32
  }
}

module attributes {stable_mosaic.version = 14 : i64} {
  func.func @body(%arg0: memref<2816x256xf32, #tpu.memory_space<vmem>>, %arg1: memref<2816x128xf32, #tpu.memory_space<vmem>>, %arg2: memref<256x128xf32, #tpu.memory_space<vmem>>, %arg3: memref<256x128xf32, #tpu.memory_space<vmem>>, %arg4: memref<256x128xf32, #tpu.memory_space<vmem>>) attributes {dimension_semantics = [], scalar_prefetch = 0 : i64, scratch_operands = 0 : i64, tpu.core_type = #tpu.core_type<tc>} {
    %get3A = arith.constant 0 : index
    %get3A_0 = arith.constant 0 : index
    %get3A_1 = vector.load %arg0[%get3A, %get3A_0] : memref<2816x256xf32, #tpu.memory_space<vmem>>, vector<2816x256xf32>
    %get3A_2 = arith.constant 0 : index
    %get3A_3 = arith.constant 0 : index
    %get3A_4 = vector.load %arg1[%get3A_2, %get3A_3] : memref<2816x128xf32, #tpu.memory_space<vmem>>, vector<2816x128xf32>
    %dot_general3A = arith.constant dense<0.000000e+00> : vector<256x128xf32>
    %dot_general3A_5 = tpu.matmul %get3A_1, %get3A_4, %dot_general3A {dimension_numbers = #tpu.dot_dimension_numbers<[0], [0], [1], [1], [0, 1, 1, 1], [], []>, transpose_lhs_hint = false} : vector<2816x256xf32>, vector<2816x128xf32>, vector<256x128xf32> -> vector<256x128xf32>
    %get3A_6 = arith.constant 0 : index
    %get3A_7 = arith.constant 0 : index
    %get3A_8 = vector.load %arg3[%get3A_6, %get3A_7] : memref<256x128xf32, #tpu.memory_space<vmem>>, vector<128x128xf32>
    %dot_general3A_9 = arith.constant dense<0.000000e+00> : vector<256x128xf32>
    %dot_general3A_10 = tpu.matmul %dot_general3A_5, %get3A_8, %dot_general3A_9 {dimension_numbers = #tpu.dot_dimension_numbers<[1], [0], [0], [1], [0, 0, 1, 1], [], []>, transpose_lhs_hint = false} : vector<256x128xf32>, vector<128x128xf32>, vector<256x128xf32> -> vector<256x128xf32>
    %get3A_11 = arith.constant 0 : index
    %get3A_12 = arith.constant 0 : index
    %get3A_13 = vector.load %arg2[%get3A_11, %get3A_12] : memref<256x128xf32, #tpu.memory_space<vmem>>, vector<256x128xf32>
    %get3A_14 = arith.constant 128 : index
    %get3A_15 = arith.constant 0 : index
    %get3A_16 = vector.load %arg3[%get3A_14, %get3A_15] : memref<256x128xf32, #tpu.memory_space<vmem>>, vector<128x128xf32>
    %dot_general3A_17 = arith.constant dense<0.000000e+00> : vector<256x128xf32>
    %dot_general3A_18 = tpu.matmul %get3A_13, %get3A_16, %dot_general3A_17 {dimension_numbers = #tpu.dot_dimension_numbers<[1], [0], [0], [1], [0, 0, 1, 1], [], []>, transpose_lhs_hint = false} : vector<256x128xf32>, vector<128x128xf32>, vector<256x128xf32> -> vector<256x128xf32>
    %add3A = arith.addf %dot_general3A_10, %dot_general3A_18 : vector<256x128xf32>
    %swap3A = arith.constant 0 : index
    %swap3A_19 = arith.constant 0 : index
    %swap3A_20 = vector.load %arg4[%swap3A, %swap3A_19] : memref<256x128xf32, #tpu.memory_space<vmem>>, vector<256x128xf32>
    tpu.vector_store %arg4[%swap3A, %swap3A_19], %add3A {strides = array<i32>} : memref<256x128xf32, #tpu.memory_space<vmem>>, vector<256x128xf32>,
    return
  }
}

</mosaic_0001>

<sc_bundles>
// kernel: kernel.12.cloned.1.call-start
scs
__scs_entry_jumppad:
0x0: {  	(pc) =	sbr.rel $0x88, $3  }
0x1: {  	(tag) =	ssettag $0x0;
	lr =	simm.s32 $0x1  }
0x2: {  	[smem:$0x3F97] =	sst lr;
	_ =	strace $0xD0000000  }
0x3: {  	_ = 	snop  }
0x4: {  	_ = 	snop  }
0x5: {  	_ = 	snop  }
0x6: {  	_ = 	snop  }
0x7: {  	_ = 	snop  }
__scs_overlays_trampoline_lowered:
0x8: {  	[smem:$0x3FA6] =	sst s0  }
0x9: {  	[smem:$0x3FA7] =	sst s1  }
0xa: {  	[smem:$0x3FA8] =	sst s2  }
0xb: {  	[smem:$0x3FA9] =	sst s3  }
0xc: {  	[smem:$0x3FAA] =	sst s4  }
0xd: {  	[smem:$0x3FAB] =	sst s5  }
0xe: {  	[smem:$0x3FAC] =	sst s6  }
0xf: {  	[smem:$0x3FAD] =	sst s7  }
0x10: {  	[smem:$0x3FAE] =	sst s8  }
0x11: {  	[smem:$0x3FAF] =	sst s9;
	s0 =	simm.s32 @!p0 $0x0  }
0x12: {  	s1 =	sld [smem:$0x3F95];
	s0 =	simm.s32 @p0 $0x1  }
0x13: {  	[smem:$0x3FB0] =	sst s0;
	s0 =	simm.s32 @!p1 $0x0  }
0x14: {  	s2 =	sld [smem:$0x3F94];
	s0 =	simm.s32 @p1 $0x1  }
0x15: {  	[smem:$0x3FB1] =	sst s0;
	s0 =	simm.s32 @!p2 $0x0  }
0x16: {  	s3 =	sld [smem:$0x3FDB];
	s0 =	simm.s32 @p2 $0x1  }
0x17: {  	s4 =	simm.s32 $0x1BF5;
	[smem:$0x3FB3] =	sst s0  }
0x18: {  	s0 =	sld [smem:$0x3F96];
	_ =	swait.ge [sflag:s4], $0x0  }
0x19: {  	s7 =	sld [smem:$0x3F97]  }
0x1a: {  	s8 =	sadd.s32 $0xFFFFE003, lr  }
0x1b: {  	s9 =	sadd.s32 $0xFFFFFEF7, lr;
	s5 =	simm.s32 $0xFFFFFFFF;
	p2 =	slt.u32 s8, $0xFFFFF086  }
0x1c: {  	p1 =	slt.u32 s9, $0xF7A;
	s5 =	simm.s32 @!p2 $0x0  }
0x1d: {  	s5 =	simm.s32 @p1 $0x1;
	p0 =	seq.s32 s7, s2  }
0x1e: {  	s7 =	smul.u32 @!p0 $0xF7A, s2;
	p2 =	seq.s32 @!p0 s5, $0x0  }
0x1f: {  	s9 =	smul.u32 $0xF7A, s1;
	s8 =	simm.s32 @!p0 $0x1BF5;
	p2 =	por !p2, p0  }
0x20: {  	[sflag:s8] =	ssyncset.s32 @!p0 $0xFFFFF086;
	s6 =	sadd.s32 @!p0 s3, s7;
	s7 =	simm.s32 @!p0 $0x108  }
0x21: {  	s3 =	sadd.s32 s3, s9;
	s6 =	sadd.s32 @!p0 $0x88, s6;
	s7 =	simm.s32 @p2 $0x1082  }
0x22: {  	[simem:s7], [sflag:s8] =	dma.local @!p0 [hbm:s6], $0xF7A  }
0x23: {  	s9 =	sor.u32 $0xD0000000, s2;
	s6 =	simm.s32 $0x108;
	_ =	swait.ge @!p0 [sflag:s8], $0x0  }
0x24: {  	s3 =	sadd.s32 $0x88, s3;
	s6 =	simm.s32 @!p1 $0x1082;
	[sflag:s4] =	ssyncset.s32 $0xFFFFF086  }
0x25: {  	[simem:s6], [sflag:s4] =	dma.local [hbm:s3], $0xF7A  }
0x26: {  	[smem:$0x3F97] =	sst s1;
	(tag) =	ssettag s2;
	_ =	strace s9  }
0x27: {  	s1 =	sld [smem:$0x3FA7]  }
0x28: {  	s2 =	sld [smem:$0x3FA8]  }
0x29: {  	s4 =	sld [smem:$0x3FAA]  }
0x2a: {  	p0 =	seq.s32 s5, $0x0;
	s5 =	sld [smem:$0x3FAB]  }
0x2b: {  	s6 =	sld [smem:$0x3FAC]  }
0x2c: {  	s7 =	sld [smem:$0x3FAD]  }
0x2d: {  	s3 =	simm.s32 $0x108;
	s8 =	sld [smem:$0x3FAE]  }
0x2e: {  	s3 =	simm.s32 @!p0 $0x1082;
	s9 =	sld [smem:$0x3FAF]  }
0x2f: {  	lr =	sadd.s32 s0, s3;
	s0 =	sld [smem:$0x3FA6]  }
0x30: {  	s3 =	sld [smem:$0x3FA9]  }
0x31: {  	[smem:$0x3FB2] =	sst s10  }
0x32: {  	s10 =	sld [smem:$0x3FB0];
	_ =	sdelay $0x3  }
0x33: {  	p0 =	seq.s32 s10, $0x1;
	s10 =	sld [smem:$0x3FB2];
	_ =	sdelay $0x3  }
0x34: {  	[smem:$0x3FB2] =	sst s10  }
0x35: {  	s10 =	sld [smem:$0x3FB1];
	_ =	sdelay $0x3  }
0x36: {  	p1 =	seq.s32 s10, $0x1;
	s10 =	sld [smem:$0x3FB2];
	_ =	sdelay $0x3  }
0x37: {  	[smem:$0x3FB2] =	sst s10  }
0x38: {  	s10 =	sld [smem:$0x3FB3]  }
0x39: {  	_ = 	snop;
	(pc) =	sbr.ind lr, $3  }
0x3a: {  	_ = 	snop  }
0x3b: {  	_ = 	snop  }
0x3c: {  	p2 =	seq.s32 s10, $0x1;
	s10 =	sld [smem:$0x3FB2]  }
0x3d: {  	_ =	shalt  }
0x3e: {  	_ =	shalt  }
0x3f: {  	_ =	shalt  }
0x40: {  	_ =	shalt  }
0x41: {  	_ =	shalt  }
0x42: {  	_ =	shalt  }
0x43: {  	_ =	shalt  }
0x44: {  	_ =	shalt  }
0x45: {  	_ =	shalt  }
0x46: {  	_ =	shalt  }
0x47: {  	_ =	shalt  }
0x48: {  	_ =	shalt  }
0x49: {  	_ =	shalt  }
0x4a: {  	_ =	shalt  }
0x4b: {  	_ =	shalt  }
0x4c: {  	_ =	shalt  }
0x4d: {  	_ =	shalt  }
0x4e: {  	_ =	shalt  }
0x4f: {  	_ =	shalt  }
0x50: {  	_ =	shalt  }
0x51: {  	_ =	shalt  }
0x52: {  	_ =	shalt  }
0x53: {  	_ =	shalt  }
0x54: {  	_ =	shalt  }
0x55: {  	_ =	shalt  }
0x56: {  	_ =	shalt  }
0x57: {  	_ =	shalt  }
0x58: {  	_ =	shalt  }
0x59: {  	_ =	shalt  }
0x5a: {  	_ =	shalt  }
0x5b: {  	_ =	shalt  }
0x5c: {  	_ =	shalt  }
0x5d: {  	_ =	shalt  }
0x5e: {  	_ =	shalt  }
0x5f: {  	_ =	shalt  }
0x60: {  	_ =	shalt  }
0x61: {  	_ =	shalt  }
0x62: {  	_ =	shalt  }
0x63: {  	_ =	shalt  }
0x64: {  	_ =	shalt  }
0x65: {  	_ =	shalt  }
0x66: {  	_ =	shalt  }
0x67: {  	_ =	shalt  }
0x68: {  	_ =	shalt  }
0x69: {  	_ =	shalt  }
0x6a: {  	_ =	shalt  }
0x6b: {  	_ =	shalt  }
0x6c: {  	_ =	shalt  }
0x6d: {  	_ =	shalt  }
0x6e: {  	_ =	shalt  }
0x6f: {  	_ =	shalt  }
0x70: {  	_ =	shalt  }
0x71: {  	_ =	shalt  }
0x72: {  	_ =	shalt  }
0x73: {  	_ =	shalt  }
0x74: {  	_ =	shalt  }
0x75: {  	_ =	shalt  }
0x76: {  	_ =	shalt  }
0x77: {  	_ =	shalt  }
0x78: {  	_ =	shalt  }
0x79: {  	_ =	shalt  }
0x7a: {  	_ =	shalt  }
0x7b: {  	_ =	shalt  }
0x7c: {  	_ =	shalt  }
0x7d: {  	_ =	shalt  }
0x7e: {  	_ =	shalt  }
0x7f: {  	_ =	shalt  }
0x80: {  	_ =	shalt  }
0x81: {  	_ =	shalt  }
0x82: {  	_ =	shalt  }
0x83: {  	_ =	shalt  }
0x84: {  	_ =	shalt  }
0x85: {  	_ =	shalt  }
0x86: {  	_ =	shalt  }
0x87: {  	_ =	shalt  }
.Lfunc_end0:
.L_simem_size_0:
called_computation.1_lowered:
.L_overlay_start_0:
0x88: {  	s2 =	sld [smem:$0x3FD9]  }
0x89: {  	s3 =	sld [smem:$0x3FFE];
	_ =	sdelay $0x1  }
0x8a: {  	s1 =	srdreg.scid  }
0x8b: {  	s0 =	sand.u32 $0x1, s1  }
0x8c: {  	s17 =	sshll.u32 s0, $0xA;
	s2 =	sadd.s32 s3, s2  }
0x8d: {  	s2 =	sadd.s32 s2, s17  }
0x8e: {  	[smem:$0x3FBE] =	sst s2  }
0x8f: {  	_ = 	snop  }
0x90: {  	s18 =	sld [smem:$0x3FC9]  }
0x91: {  	s4 =	sld [smem:$0x3FC8]  }
0x92: {  	s5 =	sld [smem:$0x3FD0];
	(tm) =	ssettm $0x1  }
0x93: {  	s19 =	sld [smem:$0x3FFB];
	_ =	sdelay $0x3  }
0x94: {  	_ =	strace s19  }
0x95: {  	s2 =	sld [smem:$0x3FFC];
	_ =	sdelay $0x3  }
0x96: {  	_ =	strace s2  }
0x97: {  	s2 =	sld [smem:$0x3FFD];
	_ =	sdelay $0x3  }
0x98: {  	_ =	strace s2  }
0x99: {  	_ =	strace $0x8FFFFFFF  }
0x9a: {  	s20 =	sld [smem:$0x3FDB];
	_ =	sdelay $0x1  }
0x9b: {  	s6 =	simm.s32 $_scs_section_size  }
0x9c: {  	s7 =	simm.s32 $_size__tile_overlayer_lowered;
	s8 =	simm.s32 $_tile_overlayer_lowered  }
0x9d: {  	s9 =	simm.s32 $0x1BFF;
	s21 =	sshll.u32 s8, $0x1;
	s6 =	sadd.s32 s6, s20  }
0x9e: {  	s22 =	simm.s32 $0x0;
	s7 =	sshll.u32 s7, $0x1;
	s8 =	sadd.s32 s21, s6  }
0x9f: {  	[timem:s22], [sflag:s9] =	dma.local [hbm:s8], s7  }
0xa0: {  	_ =	swait.ge [sflag:s9], s7  }
0xa1: {  	s7 =	ssub.s32 $0x0, s7;
	[sflag:s9] =	ssyncset.done $0x0  }
0xa2: {  	[sflag:s9] =	ssyncadd.s32 s7;
	_ =	sdelay $0x1  }
0xa3: {  	s23 =	simm.s32 $0x1B8B  }
0xa4: {  	_ =	swait.ge [sflag:s23], $0x1  }
0xa5: {  	[sflag:s23] =	ssyncset.done $0x0  }
0xa6: {  	[sflag:s23] =	ssyncadd.s32 $0xFFFFFFFF  }
0xa7: {  	s7 =	sld [smem:$0x0]  }
0xa8: {  	s8 =	sand.u32 $0xFFFFFFFE, s1  }
0xa9: {  	p0 =	sne.s32 s1, s8  }
0xaa: {  	s8 =	sshll.u32 @p0 s8, $0xE  }
0xab: {  	s8 =	sadd.s32 @p0 $0x11B8D, s8;
	s9 =	sshll.u32 @p0 s7, $0x11  }
0xac: {  	s8 =	sor.u32 @p0 s9, s8  }
0xad: {  	[sflag:s8] =	ssyncadd.remote.s32 @p0 $0x1;
	_ =	sdelay $0x1  }
0xae: {  	s8 =	simm.s32 @p0 $0x1B8D  }
0xaf: {  	_ =	swait.eq @p0 [sflag:s8], $0x1  }
0xb0: {  	[sflag:s8] =	ssyncadd.s32 @p0 $0xFFFFFFFF  }
0xb1: {  	s9 =	sshll.u32 @!p0 s1, $0xE  }
0xb2: {  	s9 =	sor.u32 @!p0 $0x4000, s9;
	s8 =	simm.s32 @!p0 $0x1B8D  }
0xb3: {  	s7 =	sshll.u32 @!p0 s7, $0x11;
	s9 =	sadd.s32 @!p0 $0x11B8D, s9;
	_ =	swait.eq @!p0 [sflag:s8], $0x1  }
0xb4: {  	s7 =	sor.u32 @!p0 s7, s9;
	[sflag:s8] =	ssyncadd.s32 @!p0 $0xFFFFFFFF  }
0xb5: {  	s25 =	simm.s32 $0x1B8E;
	s24 =	sld [smem:$0x3FFE];
	[sflag:s7] =	ssyncadd.remote.s32 @!p0 $0x1  }
0xb6: {  	s26 =	simm.s32 $execute0_lowered;
	[smem:$0x3FD2] =	sst s25  }
0xb7: {  	s8 =	sshll.u32 s26, $0x1;
	_ =	strace $0x8000004C;
	[dreg:$0x1] =	wrdreg $0xFFFFFFFF  }
0xb8: {  	s28 =	simm.s32 $_size_execute0_lowered;
	s6 =	sadd.s32 s6, s8;
	[dreg:$0x0] =	wrdreg $0x0  }
0xb9: {  	s8 =	sshll.u32 s28, $0x1;
	[dreg:$0x2] =	wrdreg s6  }
0xba: {  	[dreg:$0x3] =	wrdreg s8  }
0xbb: {  	[dreg:$0x4] =	wrdreg $0xC0  }
0xbc: {  	_ =	task [dreg:s22], $0x5FFFF  }
0xbd: {  	[dreg:$0x1] =	wrdreg $0xFFFFFFFF  }
0xbe: {  	[dreg:$0x0] =	wrdreg $0x60  }
0xbf: {  	[dreg:$0x2] =	wrdreg s18  }
0xc0: {  	[dreg:$0x3] =	wrdreg s4  }
0xc1: {  	[dreg:$0x4] =	wrdreg s5  }
0xc2: {  	[dreg:$0x5] =	wrdreg s24  }
0xc3: {  	[dreg:$0x6] =	wrdreg $0xA  }
0xc4: {  	_ =	task.clear_ibuf [dreg:s22], $0x7FFFF;
	_ =	strace $0x9000004C  }
0xc5: {  	s29 =	simm.s32 $0xA;
	_ =	strace $0x8000004E  }
0xc6: {  	_ =	swait.ge [sflag:s29], $0x1  }
0xc7: {  	[sflag:s29] =	ssyncadd.s32 $0xFFFFFFFF  }
0xc8: {  	_ =	strace $0x9000004E  }
0xc9: {  	_ =	sfence  }
0xca: {  	s30 =	sld [smem:$0x0];
	_ =	sdelay $0x2  }
0xcb: {  	s31 =	sshll.u32 s1, $0xD;
	s1 =	sshrl.u32 s1, $0x2  }
0xcc: {  	s4 =	sand.u32 $0x4000, s31;
	s1 =	sadd.s32 s1, s30  }
0xcd: {  	s0 =	sor.u32 s4, s0;
	s1 =	sshll.u32 s1, $0x11  }
0xce: {  	s0 =	sor.u32 s1, s0  }
0xcf: {  	s0 =	sadd.s32 $0x8F2B, s0  }
0xd0: {  	[sflag:s0] =	ssyncadd.remote.s32 $0x1  }
0xd1: {  	_ =	sfence.sel $0xFFFF  }
0xd2: {  	[dreg:$0x0] =	wrdreg $0xFFFFFFFF;
	(pc) =	sbr.abs _section_cstart, $3  }
0xd3: {  	[dreg:$0x1] =	wrdreg $0xFFFFFFFF  }
0xd4: {  	_ =	task.clear_ibuf [dreg:s22], $0x2FFFF;
	_ =	strace $0x9FFFFFFF  }
0xd5: {  	(tm) =	ssettm $0x7FFFFFFF  }
tec
execute0_lowered:
.L_overlay_start_1:
0x0: {  	(tag) =	ssettag $0x1  }
0x1: {  	s2 =	srdreg.scid;
	s0 =	stileid.u32  }
0x2: {  	s1 =	rddreg [dreg:$0x0];
	s14 =	sand.u32 $0x1, s2;
	s29 =	sshll.u32 s0, $0x1  }
0x3: {  	s3 =	rddreg [dreg:$0x1];
	s15 =	sor.u32 s14, s29  }
0x4: {  	s5 =	rddreg [dreg:$0x2];
	s6 =	smul.u32 $0xA0, s15  }
0x5: {  	s16 =	rddreg [dreg:$0x3]  }
0x6: {  	s4 =	simm.s32 $0x0;
	s2 =	rddreg [dreg:$0x4];
	s6 =	sshrl.u32 s6, $0x3  }
0x7: {  	[smem:$0x7FF] =	sst s4;
	s5 =	sadd.s32 s5, s6  }
0x8: {  	_ =	strace $0x8000004D;
	s6 =	sadd.s32 $0x280, s5;
	s5 =	simm.s32 $0x3  }
0x9: {  	[tilespmem:s4], [sflag:$0x3] =	stream.linear.gather [hbm4b:s6+s4], $0xA0, $0x38;
	[tilespmem:$0x5200] =	vst v63  }
0xa: {  	_ =	swait.ge [sflag:s5], $0xA0  }
0xb: {  	[sflag:s5] =	ssyncset.done $0x0  }
0xc: {  	s7 =	simm.s32 $0x50;
	s8 =	simm.s32 $0x100;
	[sflag:s5] =	ssyncadd.s32 $0xFFFFFF60  }
0xd: {  	[tilespmem:s8], [sflag:$0x1] =	stream.indirect.gather [hbm4b:s3+s7], $0x1, s4, s7, $0xb8;
	[tilespmem:$0x5200] =	vst v63  }
0xe: {  	s9 =	simm.s32 $0x150;
	s10 =	simm.s32 $0x1  }
0xf: {  	[tilespmem:s9], [sflag:$0x1] =	stream.indirect.gather [hbm4b:s3+s7], $0x1, s7, s7, $0xb8;
	[tilespmem:$0x5200] =	vst v63  }
0x10: {  	_ =	swait.ge [sflag:s10], $0x50  }
0x11: {  	[sflag:s10] =	ssyncset.done $0x0  }
0x12: {  	s11 =	simm.s32 $0x200;
	[sflag:s10] =	ssyncadd.s32 $0xFFFFFFB0  }
0x13: {  	[tilespmem:s11], [sflag:$0x2] =	stream.indirect.gather [hbm4b:s1+s7], $0x80, s8, s7, $0xb8;
	[tilespmem:$0x5200] =	vst v63  }
0x14: {  	_ =	swait.ge [sflag:s10], $0x50  }
0x15: {  	s12 =	simm.s32 $0x2A00;
	[sflag:s10] =	ssyncset.done $0x0  }
0x16: {  	s13 =	simm.s32 $0x2;
	s14 =	ssub.s32 $0x2, s14;
	[sflag:s10] =	ssyncadd.s32 $0xFFFFFFB0  }
0x17: {  	[tilespmem:s12], [sflag:$0x2] =	stream.indirect.gather [hbm4b:s1+s7], $0x80, s9, s7, $0xb8;
	[tilespmem:$0x5200] =	vst v63  }
0x18: {  	s17 =	sshrl.u32 s14, $0x1;
	_ =	swait.ge [sflag:s13], $0x2800  }
0x19: {  	s30 =	ssub.s32 s14, s17;
	[sflag:s13] =	ssyncset.done $0x0  }
0x1a: {  	s15 =	smul.u32 $0xA00, s15;
	s31 =	smax.u32 s30, $0x1;
	[sflag:s13] =	ssyncadd.s32 $0xFFFFD800  }
0x1b: {  	p0 =	sne.s32 s31, $0x1;
	_ =	swait.ge [sflag:s13], $0x2800  }
.Ltmp0:
0x1c: {  	s15 =	sadd.s32 s15, s16;
	[sflag:s13] =	ssyncset.done $0x0;
	(pc) =	sbr.rel @!p0 .LBB2_2-.Ltmp0, $4  }
0x1d: {  	s14 =	sadd.s32 $0x22A00, s15;
	[sflag:s13] =	ssyncadd.s32 $0xFFFFD800  }
0x1e: {  	[hbm4b:s14+s4] =	stream.linear.scatter [tilespmem:s11], [sflag:$0x3], $0x5000, $0x38;
	[tilespmem:$0x5200] =	vst v63  }
0x1f: {  	_ =	swait.ge [sflag:s5], $0x5000  }
0x20: {  	s15 =	sadd.s32 $0xFFFFFFFF, s31;
	[sflag:s5] =	ssyncset.done $0x0  }
.LBB2_1:
0x21: {  	p0 =	sne.s32 s15, $0x1;
	s15 =	sadd.s32 $0xFFFFFFFF, s15;
	[sflag:s5] =	ssyncadd.s32 $0xFFFFB000  }
0x22: {  	[tilespmem:s4], [sflag:$0x3] =	stream.linear.gather [hbm4b:s6+s4], $0xA0, $0x38;
	[tilespmem:$0x5200] =	vst v63  }
0x23: {  	_ =	swait.ge [sflag:s5], $0xA0  }
0x24: {  	[sflag:s5] =	ssyncset.done $0x0  }
0x25: {  	[sflag:s5] =	ssyncadd.s32 $0xFFFFFF60  }
0x26: {  	[tilespmem:s8], [sflag:$0x1] =	stream.indirect.gather [hbm4b:s3+s7], $0x1, s4, s7, $0xb8;
	[tilespmem:$0x5200] =	vst v63  }
0x27: {  	_ = 	snop  }
0x28: {  	[tilespmem:s9], [sflag:$0x1] =	stream.indirect.gather [hbm4b:s3+s7], $0x1, s7, s7, $0xb8;
	[tilespmem:$0x5200] =	vst v63  }
0x29: {  	_ =	swait.ge [sflag:s10], $0x50  }
0x2a: {  	[sflag:s10] =	ssyncset.done $0x0  }
0x2b: {  	[sflag:s10] =	ssyncadd.s32 $0xFFFFFFB0  }
0x2c: {  	[tilespmem:s11], [sflag:$0x2] =	stream.indirect.gather [hbm4b:s1+s7], $0x80, s8, s7, $0xb8;
	[tilespmem:$0x5200] =	vst v63  }
0x2d: {  	_ =	swait.ge [sflag:s10], $0x50  }
0x2e: {  	[sflag:s10] =	ssyncset.done $0x0  }
0x2f: {  	[sflag:s10] =	ssyncadd.s32 $0xFFFFFFB0  }
0x30: {  	[tilespmem:s12], [sflag:$0x2] =	stream.indirect.gather [hbm4b:s1+s7], $0x80, s9, s7, $0xb8;
	[tilespmem:$0x5200] =	vst v63  }
0x31: {  	_ =	swait.ge [sflag:s13], $0x2800  }
0x32: {  	[sflag:s13] =	ssyncset.done $0x0  }
0x33: {  	[sflag:s13] =	ssyncadd.s32 $0xFFFFD800  }
0x34: {  	_ =	swait.ge [sflag:s13], $0x2800  }
.Ltmp1:
0x35: {  	[sflag:s13] =	ssyncset.done $0x0;
	(pc) =	sbr.rel @p0 .LBB2_1-.Ltmp1, $4  }
0x36: {  	[sflag:s13] =	ssyncadd.s32 $0xFFFFD800  }
0x37: {  	[hbm4b:s14+s4] =	stream.linear.scatter [tilespmem:s11], [sflag:$0x3], $0x5000, $0x38;
	[tilespmem:$0x5200] =	vst v63  }
0x38: {  	_ =	swait.ge [sflag:s5], $0x5000  }
0x39: {  	[sflag:s5] =	ssyncset.done $0x0  }
.LBB2_2:
0x3a: {  	[sflag:s5] =	ssyncadd.s32 $0xFFFFB000  }
0x3b: {  	_ =	sfence.sel $0x180000  }
0x3c: {  	[bflag:$0x0] =	sbarrier.arrive $0xFFFF  }
0x3d: {  	p0 =	sne.s32 s0, $0x0;
	_ =	strace $0x9000004D  }
0x3e: {  	s0 =	sadd.s32 @!p0 $0x100000, s2;
	[bflag:$0x2] =	sbarrier.arrive $0xFFFF  }
0x3f: {  	[sflag:s0] =	ssyncadd.tile.s32 @!p0 $0x1;
	_ =	shalt  }
.Lfunc_end2:
_tile_overlayer_lowered:
.L_overlay_start_2:
0x40: {  	(tag) =	ssettag $0x2  }
0x41: {  	s0 =	rddreg [dreg:$0x0];
	s2 =	stileid.u32  }
0x42: {  	s1 =	rddreg [dreg:$0x1];
	p0 =	sne.s32 s2, $0x0  }
0x43: {  	s3 =	rddreg [dreg:$0x2];
	[bflag:$0x3] =	sbarrier.arrive $0xFFFF;
	s2 =	simm.s32 @!p0 $0x1C03  }
0x44: {  	[timem:s3], [sflag:s2] =	dma.local @!p0 [hbm:s0], s1  }
0x45: {  	s0 =	simm.s32 @!p0 $0x3  }
0x46: {  	_ =	swait.ge @!p0 [sflag:s0], s1  }
0x47: {  	s1 =	ssub.s32 @!p0 $0x0, s1;
	[sflag:s0] =	ssyncset.done @!p0 $0x0  }
0x48: {  	[sflag:s0] =	ssyncadd.s32 @!p0 s1  }
0x49: {  	[bflag:$0x3] =	sbarrier.arrive $0xFFFF  }
0x4a: {  	_ =	shalt  }

// kernel: kernel.15.cloned.1.call-start
scs
__scs_entry_jumppad:
0x0: {  	(pc) =	sbr.rel $0x88, $3  }
0x1: {  	(tag) =	ssettag $0x0;
	lr =	simm.s32 $0x1  }
0x2: {  	[smem:$0x3F97] =	sst lr;
	_ =	strace $0xD0000000  }
0x3: {  	_ = 	snop  }
0x4: {  	_ = 	snop  }
0x5: {  	_ = 	snop  }
0x6: {  	_ = 	snop  }
0x7: {  	_ = 	snop  }
__scs_overlays_trampoline_lowered:
0x8: {  	[smem:$0x3FA6] =	sst s0  }
0x9: {  	[smem:$0x3FA7] =	sst s1  }
0xa: {  	[smem:$0x3FA8] =	sst s2  }
0xb: {  	[smem:$0x3FA9] =	sst s3  }
0xc: {  	[smem:$0x3FAA] =	sst s4  }
0xd: {  	[smem:$0x3FAB] =	sst s5  }
0xe: {  	[smem:$0x3FAC] =	sst s6  }
0xf: {  	[smem:$0x3FAD] =	sst s7  }
0x10: {  	[smem:$0x3FAE] =	sst s8  }
0x11: {  	[smem:$0x3FAF] =	sst s9;
	s0 =	simm.s32 @!p0 $0x0  }
0x12: {  	s1 =	sld [smem:$0x3F95];
	s0 =	simm.s32 @p0 $0x1  }
0x13: {  	[smem:$0x3FB0] =	sst s0;
	s0 =	simm.s32 @!p1 $0x0  }
0x14: {  	s2 =	sld [smem:$0x3F94];
	s0 =	simm.s32 @p1 $0x1  }
0x15: {  	[smem:$0x3FB1] =	sst s0;
	s0 =	simm.s32 @!p2 $0x0  }
0x16: {  	s3 =	sld [smem:$0x3FDB];
	s0 =	simm.s32 @p2 $0x1  }
0x17: {  	s4 =	simm.s32 $0x1BF5;
	[smem:$0x3FB3] =	sst s0  }
0x18: {  	s0 =	sld [smem:$0x3F96];
	_ =	swait.ge [sflag:s4], $0x0  }
0x19: {  	s7 =	sld [smem:$0x3F97]  }
0x1a: {  	s8 =	sadd.s32 $0xFFFFE003, lr  }
0x1b: {  	s9 =	sadd.s32 $0xFFFFFEF7, lr;
	s5 =	simm.s32 $0xFFFFFFFF;
	p2 =	slt.u32 s8, $0xFFFFF086  }
0x1c: {  	p1 =	slt.u32 s9, $0xF7A;
	s5 =	simm.s32 @!p2 $0x0  }
0x1d: {  	s5 =	simm.s32 @p1 $0x1;
	p0 =	seq.s32 s7, s2  }
0x1e: {  	s7 =	smul.u32 @!p0 $0xF7A, s2;
	p2 =	seq.s32 @!p0 s5, $0x0  }
0x1f: {  	s9 =	smul.u32 $0xF7A, s1;
	s8 =	simm.s32 @!p0 $0x1BF5;
	p2 =	por !p2, p0  }
0x20: {  	[sflag:s8] =	ssyncset.s32 @!p0 $0xFFFFF086;
	s6 =	sadd.s32 @!p0 s3, s7;
	s7 =	simm.s32 @!p0 $0x108  }
0x21: {  	s3 =	sadd.s32 s3, s9;
	s6 =	sadd.s32 @!p0 $0x88, s6;
	s7 =	simm.s32 @p2 $0x1082  }
0x22: {  	[simem:s7], [sflag:s8] =	dma.local @!p0 [hbm:s6], $0xF7A  }
0x23: {  	s9 =	sor.u32 $0xD0000000, s2;
	s6 =	simm.s32 $0x108;
	_ =	swait.ge @!p0 [sflag:s8], $0x0  }
0x24: {  	s3 =	sadd.s32 $0x88, s3;
	s6 =	simm.s32 @!p1 $0x1082;
	[sflag:s4] =	ssyncset.s32 $0xFFFFF086  }
0x25: {  	[simem:s6], [sflag:s4] =	dma.local [hbm:s3], $0xF7A  }
0x26: {  	[smem:$0x3F97] =	sst s1;
	(tag) =	ssettag s2;
	_ =	strace s9  }
0x27: {  	s1 =	sld [smem:$0x3FA7]  }
0x28: {  	s2 =	sld [smem:$0x3FA8]  }
0x29: {  	s4 =	sld [smem:$0x3FAA]  }
0x2a: {  	p0 =	seq.s32 s5, $0x0;
	s5 =	sld [smem:$0x3FAB]  }
0x2b: {  	s6 =	sld [smem:$0x3FAC]  }
0x2c: {  	s7 =	sld [smem:$0x3FAD]  }
0x2d: {  	s3 =	simm.s32 $0x108;
	s8 =	sld [smem:$0x3FAE]  }
0x2e: {  	s3 =	simm.s32 @!p0 $0x1082;
	s9 =	sld [smem:$0x3FAF]  }
0x2f: {  	lr =	sadd.s32 s0, s3;
	s0 =	sld [smem:$0x3FA6]  }
0x30: {  	s3 =	sld [smem:$0x3FA9]  }
0x31: {  	[smem:$0x3FB2] =	sst s10  }
0x32: {  	s10 =	sld [smem:$0x3FB0];
	_ =	sdelay $0x3  }
0x33: {  	p0 =	seq.s32 s10, $0x1;
	s10 =	sld [smem:$0x3FB2];
	_ =	sdelay $0x3  }
0x34: {  	[smem:$0x3FB2] =	sst s10  }
0x35: {  	s10 =	sld [smem:$0x3FB1];
	_ =	sdelay $0x3  }
0x36: {  	p1 =	seq.s32 s10, $0x1;
	s10 =	sld [smem:$0x3FB2];
	_ =	sdelay $0x3  }
0x37: {  	[smem:$0x3FB2] =	sst s10  }
0x38: {  	s10 =	sld [smem:$0x3FB3]  }
0x39: {  	_ = 	snop;
	(pc) =	sbr.ind lr, $3  }
0x3a: {  	_ = 	snop  }
0x3b: {  	_ = 	snop  }
0x3c: {  	p2 =	seq.s32 s10, $0x1;
	s10 =	sld [smem:$0x3FB2]  }
0x3d: {  	_ =	shalt  }
0x3e: {  	_ =	shalt  }
0x3f: {  	_ =	shalt  }
0x40: {  	_ =	shalt  }
0x41: {  	_ =	shalt  }
0x42: {  	_ =	shalt  }
0x43: {  	_ =	shalt  }
0x44: {  	_ =	shalt  }
0x45: {  	_ =	shalt  }
0x46: {  	_ =	shalt  }
0x47: {  	_ =	shalt  }
0x48: {  	_ =	shalt  }
0x49: {  	_ =	shalt  }
0x4a: {  	_ =	shalt  }
0x4b: {  	_ =	shalt  }
0x4c: {  	_ =	shalt  }
0x4d: {  	_ =	shalt  }
0x4e: {  	_ =	shalt  }
0x4f: {  	_ =	shalt  }
0x50: {  	_ =	shalt  }
0x51: {  	_ =	shalt  }
0x52: {  	_ =	shalt  }
0x53: {  	_ =	shalt  }
0x54: {  	_ =	shalt  }
0x55: {  	_ =	shalt  }
0x56: {  	_ =	shalt  }
0x57: {  	_ =	shalt  }
0x58: {  	_ =	shalt  }
0x59: {  	_ =	shalt  }
0x5a: {  	_ =	shalt  }
0x5b: {  	_ =	shalt  }
0x5c: {  	_ =	shalt  }
0x5d: {  	_ =	shalt  }
0x5e: {  	_ =	shalt  }
0x5f: {  	_ =	shalt  }
0x60: {  	_ =	shalt  }
0x61: {  	_ =	shalt  }
0x62: {  	_ =	shalt  }
0x63: {  	_ =	shalt  }
0x64: {  	_ =	shalt  }
0x65: {  	_ =	shalt  }
0x66: {  	_ =	shalt  }
0x67: {  	_ =	shalt  }
0x68: {  	_ =	shalt  }
0x69: {  	_ =	shalt  }
0x6a: {  	_ =	shalt  }
0x6b: {  	_ =	shalt  }
0x6c: {  	_ =	shalt  }
0x6d: {  	_ =	shalt  }
0x6e: {  	_ =	shalt  }
0x6f: {  	_ =	shalt  }
0x70: {  	_ =	shalt  }
0x71: {  	_ =	shalt  }
0x72: {  	_ =	shalt  }
0x73: {  	_ =	shalt  }
0x74: {  	_ =	shalt  }
0x75: {  	_ =	shalt  }
0x76: {  	_ =	shalt  }
0x77: {  	_ =	shalt  }
0x78: {  	_ =	shalt  }
0x79: {  	_ =	shalt  }
0x7a: {  	_ =	shalt  }
0x7b: {  	_ =	shalt  }
0x7c: {  	_ =	shalt  }
0x7d: {  	_ =	shalt  }
0x7e: {  	_ =	shalt  }
0x7f: {  	_ =	shalt  }
0x80: {  	_ =	shalt  }
0x81: {  	_ =	shalt  }
0x82: {  	_ =	shalt  }
0x83: {  	_ =	shalt  }
0x84: {  	_ =	shalt  }
0x85: {  	_ =	shalt  }
0x86: {  	_ =	shalt  }
0x87: {  	_ =	shalt  }
.Lfunc_end0:
.L_simem_size_0:
called_computation.2_lowered:
.L_overlay_start_0:
0x88: {  	s2 =	sld [smem:$0x3FD9]  }
0x89: {  	s3 =	sld [smem:$0x3FFE];
	_ =	sdelay $0x1  }
0x8a: {  	s1 =	srdreg.scid  }
0x8b: {  	s0 =	sand.u32 $0x1, s1  }
0x8c: {  	s17 =	sshll.u32 s0, $0xA;
	s2 =	sadd.s32 s3, s2  }
0x8d: {  	s2 =	sadd.s32 s2, s17  }
0x8e: {  	[smem:$0x3FBE] =	sst s2  }
0x8f: {  	_ = 	snop  }
0x90: {  	s18 =	sld [smem:$0x3FC9]  }
0x91: {  	s4 =	sld [smem:$0x3FC8];
	(tm) =	ssettm $0x1  }
0x92: {  	s19 =	sld [smem:$0x3FFB];
	_ =	sdelay $0x3  }
0x93: {  	_ =	strace s19  }
0x94: {  	s2 =	sld [smem:$0x3FFC];
	_ =	sdelay $0x3  }
0x95: {  	_ =	strace s2  }
0x96: {  	s2 =	sld [smem:$0x3FFD];
	_ =	sdelay $0x3  }
0x97: {  	_ =	strace s2  }
0x98: {  	_ =	strace $0x8FFFFFFF  }
0x99: {  	s20 =	sld [smem:$0x3FDB];
	_ =	sdelay $0x1  }
0x9a: {  	s5 =	simm.s32 $_scs_section_size  }
0x9b: {  	s6 =	simm.s32 $_size__tile_overlayer_lowered;
	s7 =	simm.s32 $_tile_overlayer_lowered  }
0x9c: {  	s8 =	simm.s32 $0x1BFF;
	s21 =	sshll.u32 s7, $0x1;
	s5 =	sadd.s32 s5, s20  }
0x9d: {  	s22 =	simm.s32 $0x0;
	s6 =	sshll.u32 s6, $0x1;
	s7 =	sadd.s32 s21, s5  }
0x9e: {  	[timem:s22], [sflag:s8] =	dma.local [hbm:s7], s6  }
0x9f: {  	_ =	swait.ge [sflag:s8], s6  }
0xa0: {  	s6 =	ssub.s32 $0x0, s6;
	[sflag:s8] =	ssyncset.done $0x0  }
0xa1: {  	[sflag:s8] =	ssyncadd.s32 s6;
	_ =	sdelay $0x1  }
0xa2: {  	s23 =	simm.s32 $0x1B8B  }
0xa3: {  	_ =	swait.ge [sflag:s23], $0x1  }
0xa4: {  	[sflag:s23] =	ssyncset.done $0x0  }
0xa5: {  	[sflag:s23] =	ssyncadd.s32 $0xFFFFFFFF  }
0xa6: {  	s6 =	sld [smem:$0x0]  }
0xa7: {  	s7 =	sand.u32 $0xFFFFFFFE, s1  }
0xa8: {  	p0 =	sne.s32 s1, s7  }
0xa9: {  	s7 =	sshll.u32 @p0 s7, $0xE  }
0xaa: {  	s7 =	sadd.s32 @p0 $0x11B8D, s7;
	s8 =	sshll.u32 @p0 s6, $0x11  }
0xab: {  	s7 =	sor.u32 @p0 s8, s7  }
0xac: {  	[sflag:s7] =	ssyncadd.remote.s32 @p0 $0x1;
	_ =	sdelay $0x1  }
0xad: {  	s7 =	simm.s32 @p0 $0x1B8D  }
0xae: {  	_ =	swait.eq @p0 [sflag:s7], $0x1  }
0xaf: {  	[sflag:s7] =	ssyncadd.s32 @p0 $0xFFFFFFFF  }
0xb0: {  	s8 =	sshll.u32 @!p0 s1, $0xE  }
0xb1: {  	s8 =	sor.u32 @!p0 $0x4000, s8;
	s7 =	simm.s32 @!p0 $0x1B8D  }
0xb2: {  	s6 =	sshll.u32 @!p0 s6, $0x11;
	s8 =	sadd.s32 @!p0 $0x11B8D, s8;
	_ =	swait.eq @!p0 [sflag:s7], $0x1  }
0xb3: {  	s6 =	sor.u32 @!p0 s6, s8;
	[sflag:s7] =	ssyncadd.s32 @!p0 $0xFFFFFFFF  }
0xb4: {  	s25 =	simm.s32 $0x1B8E;
	s24 =	sld [smem:$0x3FFE];
	[sflag:s6] =	ssyncadd.remote.s32 @!p0 $0x1  }
0xb5: {  	s26 =	simm.s32 $execute0_lowered;
	[smem:$0x3FD2] =	sst s25  }
0xb6: {  	s7 =	sshll.u32 s26, $0x1;
	_ =	strace $0x80000049;
	[dreg:$0x1] =	wrdreg $0xFFFFFFFF  }
0xb7: {  	s28 =	simm.s32 $_size_execute0_lowered;
	s5 =	sadd.s32 s5, s7;
	[dreg:$0x0] =	wrdreg $0x0  }
0xb8: {  	s7 =	sshll.u32 s28, $0x1;
	[dreg:$0x2] =	wrdreg s5  }
0xb9: {  	[dreg:$0x3] =	wrdreg s7  }
0xba: {  	[dreg:$0x4] =	wrdreg $0xC0  }
0xbb: {  	_ =	task [dreg:s22], $0x5FFFF  }
0xbc: {  	[dreg:$0x1] =	wrdreg $0xFFFFFFFF  }
0xbd: {  	[dreg:$0x0] =	wrdreg $0x60  }
0xbe: {  	[dreg:$0x2] =	wrdreg s18  }
0xbf: {  	[dreg:$0x3] =	wrdreg s4  }
0xc0: {  	[dreg:$0x4] =	wrdreg s24  }
0xc1: {  	[dreg:$0x5] =	wrdreg $0xB  }
0xc2: {  	_ =	task.clear_ibuf [dreg:s22], $0x6FFFF;
	_ =	strace $0x90000049  }
0xc3: {  	s29 =	simm.s32 $0xB;
	_ =	strace $0x8000004B  }
0xc4: {  	_ =	swait.ge [sflag:s29], $0x1  }
0xc5: {  	[sflag:s29] =	ssyncadd.s32 $0xFFFFFFFF  }
0xc6: {  	_ =	strace $0x9000004B  }
0xc7: {  	_ =	sfence  }
0xc8: {  	s30 =	sld [smem:$0x0];
	_ =	sdelay $0x2  }
0xc9: {  	s31 =	sshll.u32 s1, $0xD;
	s1 =	sshrl.u32 s1, $0x2  }
0xca: {  	s4 =	sand.u32 $0x4000, s31;
	s1 =	sadd.s32 s1, s30  }
0xcb: {  	s0 =	sor.u32 s4, s0;
	s1 =	sshll.u32 s1, $0x11  }
0xcc: {  	s0 =	sor.u32 s1, s0  }
0xcd: {  	s0 =	sadd.s32 $0x8F2B, s0  }
0xce: {  	[sflag:s0] =	ssyncadd.remote.s32 $0x1  }
0xcf: {  	_ =	sfence.sel $0xFFFF  }
0xd0: {  	[dreg:$0x0] =	wrdreg $0xFFFFFFFF;
	(pc) =	sbr.abs _section_cstart, $3  }
0xd1: {  	[dreg:$0x1] =	wrdreg $0xFFFFFFFF  }
0xd2: {  	_ =	task.clear_ibuf [dreg:s22], $0x2FFFF;
	_ =	strace $0x9FFFFFFF  }
0xd3: {  	(tm) =	ssettm $0x7FFFFFFF  }
tec
execute0_lowered:
.L_overlay_start_1:
0x0: {  	(tag) =	ssettag $0x1  }
0x1: {  	s1 =	srdreg.scid;
	s0 =	stileid.u32  }
0x2: {  	s2 =	rddreg [dreg:$0x0];
	s10 =	sand.u32 $0x1, s1;
	s30 =	sshll.u32 s0, $0x1  }
0x3: {  	s3 =	rddreg [dreg:$0x1];
	s11 =	sor.u32 s10, s30  }
0x4: {  	s12 =	rddreg [dreg:$0x2];
	s5 =	smul.u32 $0xC, s11  }
0x5: {  	s4 =	simm.s32 $0x0;
	s1 =	rddreg [dreg:$0x3]  }
0x6: {  	[smem:$0x7FF] =	sst s4;
	s5 =	sadd.s32 s5, s12  }
0x7: {  	_ =	strace $0x8000004A;
	s6 =	sadd.s32 $0x16800, s5;
	s5 =	simm.s32 $0x3  }
0x8: {  	[tilespmem:s4], [sflag:$0x3] =	stream.linear.gather [hbm4b:s6+s4], $0x60, $0x38;
	[tilespmem:$0x3100] =	vst v63  }
0x9: {  	s7 =	simm.s32 $0x60;
	_ =	swait.ge [sflag:s5], $0x60  }
0xa: {  	s8 =	simm.s32 $0x80;
	s9 =	simm.s32 $0x1;
	[sflag:s5] =	ssyncset.done $0x0  }
0xb: {  	s14 =	ssub.s32 $0x2, s10;
	s10 =	simm.s32 $0x100;
	[sflag:s5] =	ssyncadd.s32 $0xFFFFFFA0  }
0xc: {  	[tilespmem:s8], [sflag:$0x1] =	stream.indirect.gather [hbm4b:s3+s7], $0x1, s4, s7, $0xb8;
	[tilespmem:$0x3100] =	vst v63  }
0xd: {  	s13 =	smul.u32 $0x600, s11;
	s15 =	sshrl.u32 s14, $0x1;
	_ =	swait.ge [sflag:s9], $0x60  }
0xe: {  	s11 =	simm.s32 $0x2;
	s31 =	ssub.s32 s14, s15;
	[sflag:s9] =	ssyncset.done $0x0  }
0xf: {  	s12 =	sadd.s32 s13, s12;
	s13 =	smax.u32 s31, $0x1;
	[sflag:s9] =	ssyncadd.s32 $0xFFFFFFA0  }
0x10: {  	[tilespmem:s10], [sflag:$0x2] =	stream.indirect.gather [hbm4b:s2+s7], $0x80, s8, s7, $0xb8;
	[tilespmem:$0x3100] =	vst v63  }
0x11: {  	p0 =	sne.s32 s13, $0x1;
	_ =	swait.ge [sflag:s11], $0x3000  }
.Ltmp0:
0x12: {  	[sflag:s11] =	ssyncset.done $0x0;
	(pc) =	sbr.rel @!p0 .LBB2_2-.Ltmp0, $4  }
0x13: {  	s12 =	sadd.s32 $0x16A00, s12;
	[sflag:s11] =	ssyncadd.s32 $0xFFFFD000  }
0x14: {  	[hbm4b:s12+s4] =	stream.linear.scatter [tilespmem:s10], [sflag:$0x3], $0x3000, $0x38;
	[tilespmem:$0x3100] =	vst v63  }
0x15: {  	_ =	swait.ge [sflag:s5], $0x3000  }
0x16: {  	s13 =	sadd.s32 $0xFFFFFFFF, s13;
	[sflag:s5] =	ssyncset.done $0x0  }
.LBB2_1:
0x17: {  	p0 =	sne.s32 s13, $0x1;
	s13 =	sadd.s32 $0xFFFFFFFF, s13;
	[sflag:s5] =	ssyncadd.s32 $0xFFFFD000  }
0x18: {  	[tilespmem:s4], [sflag:$0x3] =	stream.linear.gather [hbm4b:s6+s4], $0x60, $0x38;
	[tilespmem:$0x3100] =	vst v63  }
0x19: {  	_ =	swait.ge [sflag:s5], $0x60  }
0x1a: {  	[sflag:s5] =	ssyncset.done $0x0  }
0x1b: {  	[sflag:s5] =	ssyncadd.s32 $0xFFFFFFA0  }
0x1c: {  	[tilespmem:s8], [sflag:$0x1] =	stream.indirect.gather [hbm4b:s3+s7], $0x1, s4, s7, $0xb8;
	[tilespmem:$0x3100] =	vst v63  }
0x1d: {  	_ =	swait.ge [sflag:s9], $0x60  }
0x1e: {  	[sflag:s9] =	ssyncset.done $0x0  }
0x1f: {  	[sflag:s9] =	ssyncadd.s32 $0xFFFFFFA0  }
0x20: {  	[tilespmem:s10], [sflag:$0x2] =	stream.indirect.gather [hbm4b:s2+s7], $0x80, s8, s7, $0xb8;
	[tilespmem:$0x3100] =	vst v63  }
0x21: {  	_ =	swait.ge [sflag:s11], $0x3000  }
.Ltmp1:
0x22: {  	[sflag:s11] =	ssyncset.done $0x0;
	(pc) =	sbr.rel @p0 .LBB2_1-.Ltmp1, $4  }
0x23: {  	[sflag:s11] =	ssyncadd.s32 $0xFFFFD000  }
0x24: {  	[hbm4b:s12+s4] =	stream.linear.scatter [tilespmem:s10], [sflag:$0x3], $0x3000, $0x38;
	[tilespmem:$0x3100] =	vst v63  }
0x25: {  	_ =	swait.ge [sflag:s5], $0x3000  }
0x26: {  	[sflag:s5] =	ssyncset.done $0x0  }
.LBB2_2:
0x27: {  	[sflag:s5] =	ssyncadd.s32 $0xFFFFD000  }
0x28: {  	_ =	sfence.sel $0x180000  }
0x29: {  	[bflag:$0x0] =	sbarrier.arrive $0xFFFF  }
0x2a: {  	p0 =	sne.s32 s0, $0x0;
	_ =	strace $0x9000004A  }
0x2b: {  	s0 =	sadd.s32 @!p0 $0x100000, s1;
	[bflag:$0x2] =	sbarrier.arrive $0xFFFF  }
0x2c: {  	[sflag:s0] =	ssyncadd.tile.s32 @!p0 $0x1;
	_ =	shalt  }
.Lfunc_end2:
_tile_overlayer_lowered:
.L_overlay_start_2:
0x2d: {  	(tag) =	ssettag $0x2  }
0x2e: {  	s0 =	rddreg [dreg:$0x0];
	s2 =	stileid.u32  }
0x2f: {  	s1 =	rddreg [dreg:$0x1];
	p0 =	sne.s32 s2, $0x0  }
0x30: {  	s3 =	rddreg [dreg:$0x2];
	[bflag:$0x3] =	sbarrier.arrive $0xFFFF;
	s2 =	simm.s32 @!p0 $0x1C03  }
0x31: {  	[timem:s3], [sflag:s2] =	dma.local @!p0 [hbm:s0], s1  }
0x32: {  	s0 =	simm.s32 @!p0 $0x3  }
0x33: {  	_ =	swait.ge @!p0 [sflag:s0], s1  }
0x34: {  	s1 =	ssub.s32 @!p0 $0x0, s1;
	[sflag:s0] =	ssyncset.done @!p0 $0x0  }
0x35: {  	[sflag:s0] =	ssyncadd.s32 @!p0 s1  }
0x36: {  	[bflag:$0x3] =	sbarrier.arrive $0xFFFF  }
0x37: {  	_ =	shalt  }

// kernel: kernel.18.cloned.1.call-start
scs
__scs_entry_jumppad:
0x0: {  	(pc) =	sbr.rel $0x88, $3  }
0x1: {  	(tag) =	ssettag $0x0;
	lr =	simm.s32 $0x1  }
0x2: {  	[smem:$0x3F97] =	sst lr;
	_ =	strace $0xD0000000  }
0x3: {  	_ = 	snop  }
0x4: {  	_ = 	snop  }
0x5: {  	_ = 	snop  }
0x6: {  	_ = 	snop  }
0x7: {  	_ = 	snop  }
__scs_overlays_trampoline_lowered:
0x8: {  	[smem:$0x3FA6] =	sst s0  }
0x9: {  	[smem:$0x3FA7] =	sst s1  }
0xa: {  	[smem:$0x3FA8] =	sst s2  }
0xb: {  	[smem:$0x3FA9] =	sst s3  }
0xc: {  	[smem:$0x3FAA] =	sst s4  }
0xd: {  	[smem:$0x3FAB] =	sst s5  }
0xe: {  	[smem:$0x3FAC] =	sst s6  }
0xf: {  	[smem:$0x3FAD] =	sst s7  }
0x10: {  	[smem:$0x3FAE] =	sst s8  }
0x11: {  	[smem:$0x3FAF] =	sst s9;
	s0 =	simm.s32 @!p0 $0x0  }
0x12: {  	s1 =	sld [smem:$0x3F95];
	s0 =	simm.s32 @p0 $0x1  }
0x13: {  	[smem:$0x3FB0] =	sst s0;
	s0 =	simm.s32 @!p1 $0x0  }
0x14: {  	s2 =	sld [smem:$0x3F94];
	s0 =	simm.s32 @p1 $0x1  }
0x15: {  	[smem:$0x3FB1] =	sst s0;
	s0 =	simm.s32 @!p2 $0x0  }
0x16: {  	s3 =	sld [smem:$0x3FDB];
	s0 =	simm.s32 @p2 $0x1  }
0x17: {  	s4 =	simm.s32 $0x1BF5;
	[smem:$0x3FB3] =	sst s0  }
0x18: {  	s0 =	sld [smem:$0x3F96];
	_ =	swait.ge [sflag:s4], $0x0  }
0x19: {  	s7 =	sld [smem:$0x3F97]  }
0x1a: {  	s8 =	sadd.s32 $0xFFFFE003, lr  }
0x1b: {  	s9 =	sadd.s32 $0xFFFFFEF7, lr;
	s5 =	simm.s32 $0xFFFFFFFF;
	p2 =	slt.u32 s8, $0xFFFFF086  }
0x1c: {  	p1 =	slt.u32 s9, $0xF7A;
	s5 =	simm.s32 @!p2 $0x0  }
0x1d: {  	s5 =	simm.s32 @p1 $0x1;
	p0 =	seq.s32 s7, s2  }
0x1e: {  	s7 =	smul.u32 @!p0 $0xF7A, s2;
	p2 =	seq.s32 @!p0 s5, $0x0  }
0x1f: {  	s9 =	smul.u32 $0xF7A, s1;
	s8 =	simm.s32 @!p0 $0x1BF5;
	p2 =	por !p2, p0  }
0x20: {  	[sflag:s8] =	ssyncset.s32 @!p0 $0xFFFFF086;
	s6 =	sadd.s32 @!p0 s3, s7;
	s7 =	simm.s32 @!p0 $0x108  }
0x21: {  	s3 =	sadd.s32 s3, s9;
	s6 =	sadd.s32 @!p0 $0x88, s6;
	s7 =	simm.s32 @p2 $0x1082  }
0x22: {  	[simem:s7], [sflag:s8] =	dma.local @!p0 [hbm:s6], $0xF7A  }
0x23: {  	s9 =	sor.u32 $0xD0000000, s2;
	s6 =	simm.s32 $0x108;
	_ =	swait.ge @!p0 [sflag:s8], $0x0  }
0x24: {  	s3 =	sadd.s32 $0x88, s3;
	s6 =	simm.s32 @!p1 $0x1082;
	[sflag:s4] =	ssyncset.s32 $0xFFFFF086  }
0x25: {  	[simem:s6], [sflag:s4] =	dma.local [hbm:s3], $0xF7A  }
0x26: {  	[smem:$0x3F97] =	sst s1;
	(tag) =	ssettag s2;
	_ =	strace s9  }
0x27: {  	s1 =	sld [smem:$0x3FA7]  }
0x28: {  	s2 =	sld [smem:$0x3FA8]  }
0x29: {  	s4 =	sld [smem:$0x3FAA]  }
0x2a: {  	p0 =	seq.s32 s5, $0x0;
	s5 =	sld [smem:$0x3FAB]  }
0x2b: {  	s6 =	sld [smem:$0x3FAC]  }
0x2c: {  	s7 =	sld [smem:$0x3FAD]  }
0x2d: {  	s3 =	simm.s32 $0x108;
	s8 =	sld [smem:$0x3FAE]  }
0x2e: {  	s3 =	simm.s32 @!p0 $0x1082;
	s9 =	sld [smem:$0x3FAF]  }
0x2f: {  	lr =	sadd.s32 s0, s3;
	s0 =	sld [smem:$0x3FA6]  }
0x30: {  	s3 =	sld [smem:$0x3FA9]  }
0x31: {  	[smem:$0x3FB2] =	sst s10  }
0x32: {  	s10 =	sld [smem:$0x3FB0];
	_ =	sdelay $0x3  }
0x33: {  	p0 =	seq.s32 s10, $0x1;
	s10 =	sld [smem:$0x3FB2];
	_ =	sdelay $0x3  }
0x34: {  	[smem:$0x3FB2] =	sst s10  }
0x35: {  	s10 =	sld [smem:$0x3FB1];
	_ =	sdelay $0x3  }
0x36: {  	p1 =	seq.s32 s10, $0x1;
	s10 =	sld [smem:$0x3FB2];
	_ =	sdelay $0x3  }
0x37: {  	[smem:$0x3FB2] =	sst s10  }
0x38: {  	s10 =	sld [smem:$0x3FB3]  }
0x39: {  	_ = 	snop;
	(pc) =	sbr.ind lr, $3  }
0x3a: {  	_ = 	snop  }
0x3b: {  	_ = 	snop  }
0x3c: {  	p2 =	seq.s32 s10, $0x1;
	s10 =	sld [smem:$0x3FB2]  }
0x3d: {  	_ =	shalt  }
0x3e: {  	_ =	shalt  }
0x3f: {  	_ =	shalt  }
0x40: {  	_ =	shalt  }
0x41: {  	_ =	shalt  }
0x42: {  	_ =	shalt  }
0x43: {  	_ =	shalt  }
0x44: {  	_ =	shalt  }
0x45: {  	_ =	shalt  }
0x46: {  	_ =	shalt  }
0x47: {  	_ =	shalt  }
0x48: {  	_ =	shalt  }
0x49: {  	_ =	shalt  }
0x4a: {  	_ =	shalt  }
0x4b: {  	_ =	shalt  }
0x4c: {  	_ =	shalt  }
0x4d: {  	_ =	shalt  }
0x4e: {  	_ =	shalt  }
0x4f: {  	_ =	shalt  }
0x50: {  	_ =	shalt  }
0x51: {  	_ =	shalt  }
0x52: {  	_ =	shalt  }
0x53: {  	_ =	shalt  }
0x54: {  	_ =	shalt  }
0x55: {  	_ =	shalt  }
0x56: {  	_ =	shalt  }
0x57: {  	_ =	shalt  }
0x58: {  	_ =	shalt  }
0x59: {  	_ =	shalt  }
0x5a: {  	_ =	shalt  }
0x5b: {  	_ =	shalt  }
0x5c: {  	_ =	shalt  }
0x5d: {  	_ =	shalt  }
0x5e: {  	_ =	shalt  }
0x5f: {  	_ =	shalt  }
0x60: {  	_ =	shalt  }
0x61: {  	_ =	shalt  }
0x62: {  	_ =	shalt  }
0x63: {  	_ =	shalt  }
0x64: {  	_ =	shalt  }
0x65: {  	_ =	shalt  }
0x66: {  	_ =	shalt  }
0x67: {  	_ =	shalt  }
0x68: {  	_ =	shalt  }
0x69: {  	_ =	shalt  }
0x6a: {  	_ =	shalt  }
0x6b: {  	_ =	shalt  }
0x6c: {  	_ =	shalt  }
0x6d: {  	_ =	shalt  }
0x6e: {  	_ =	shalt  }
0x6f: {  	_ =	shalt  }
0x70: {  	_ =	shalt  }
0x71: {  	_ =	shalt  }
0x72: {  	_ =	shalt  }
0x73: {  	_ =	shalt  }
0x74: {  	_ =	shalt  }
0x75: {  	_ =	shalt  }
0x76: {  	_ =	shalt  }
0x77: {  	_ =	shalt  }
0x78: {  	_ =	shalt  }
0x79: {  	_ =	shalt  }
0x7a: {  	_ =	shalt  }
0x7b: {  	_ =	shalt  }
0x7c: {  	_ =	shalt  }
0x7d: {  	_ =	shalt  }
0x7e: {  	_ =	shalt  }
0x7f: {  	_ =	shalt  }
0x80: {  	_ =	shalt  }
0x81: {  	_ =	shalt  }
0x82: {  	_ =	shalt  }
0x83: {  	_ =	shalt  }
0x84: {  	_ =	shalt  }
0x85: {  	_ =	shalt  }
0x86: {  	_ =	shalt  }
0x87: {  	_ =	shalt  }
.Lfunc_end0:
.L_simem_size_0:
called_computation.3_lowered:
.L_overlay_start_0:
0x88: {  	s2 =	sld [smem:$0x3FD9]  }
0x89: {  	s3 =	sld [smem:$0x3FFE];
	_ =	sdelay $0x1  }
0x8a: {  	s1 =	srdreg.scid  }
0x8b: {  	s0 =	sand.u32 $0x1, s1  }
0x8c: {  	s17 =	sshll.u32 s0, $0xA;
	s2 =	sadd.s32 s3, s2  }
0x8d: {  	s2 =	sadd.s32 s2, s17  }
0x8e: {  	[smem:$0x3FBE] =	sst s2  }
0x8f: {  	_ = 	snop  }
0x90: {  	s2 =	sld [smem:$0x3FC4]  }
0x91: {  	s18 =	sld [smem:$0x3FC3]  }
0x92: {  	s4 =	sld [smem:$0x3FD0];
	(tm) =	ssettm $0x1  }
0x93: {  	s5 =	sld [smem:$0x3FFB];
	_ =	sdelay $0x3  }
0x94: {  	_ =	strace s5  }
0x95: {  	s5 =	sld [smem:$0x3FFC];
	_ =	sdelay $0x3  }
0x96: {  	_ =	strace s5  }
0x97: {  	s5 =	sld [smem:$0x3FFD];
	_ =	sdelay $0x3  }
0x98: {  	_ =	strace s5  }
0x99: {  	_ =	strace $0x8FFFFFFF  }
0x9a: {  	s19 =	sld [smem:$0x3FDB];
	_ =	sdelay $0x1  }
0x9b: {  	s6 =	simm.s32 $_scs_section_size  }
0x9c: {  	s7 =	simm.s32 $_size__tile_overlayer_lowered;
	s8 =	simm.s32 $_tile_overlayer_lowered  }
0x9d: {  	s22 =	simm.s32 $0x1BFF;
	s21 =	sshll.u32 s8, $0x1;
	s5 =	sadd.s32 s6, s19  }
0x9e: {  	s9 =	simm.s32 $0x0;
	s20 =	sshll.u32 s7, $0x1;
	s7 =	sadd.s32 s21, s5  }
0x9f: {  	[timem:s9], [sflag:s22] =	dma.local [hbm:s7], s20  }
0xa0: {  	_ =	swait.ge [sflag:s22], s20  }
0xa1: {  	s6 =	ssub.s32 $0x0, s20;
	[sflag:s22] =	ssyncset.done $0x0  }
0xa2: {  	[sflag:s22] =	ssyncadd.s32 s6;
	_ =	sdelay $0x1  }
0xa3: {  	s23 =	simm.s32 $0x1B8B  }
0xa4: {  	_ =	swait.ge [sflag:s23], $0x1  }
0xa5: {  	[sflag:s23] =	ssyncset.done $0x0  }
0xa6: {  	s25 =	simm.s32 $0x1B8E;
	s24 =	sld [smem:$0x3FFE];
	[sflag:s23] =	ssyncadd.s32 $0xFFFFFFFF  }
0xa7: {  	s26 =	simm.s32 $execute0_lowered;
	[smem:$0x3FD2] =	sst s25  }
0xa8: {  	s7 =	sshll.u32 s26, $0x1;
	_ =	strace $0x8000004F;
	[dreg:$0x1] =	wrdreg $0xFFFFFFFF  }
0xa9: {  	s28 =	simm.s32 $_size_execute0_lowered;
	s5 =	sadd.s32 s5, s7;
	[dreg:$0x0] =	wrdreg $0x0  }
0xaa: {  	s7 =	sshll.u32 s28, $0x1;
	[dreg:$0x2] =	wrdreg s5  }
0xab: {  	[dreg:$0x3] =	wrdreg s7  }
0xac: {  	[dreg:$0x4] =	wrdreg $0xC0  }
0xad: {  	_ =	task [dreg:s9], $0x5FFFF  }
0xae: {  	[dreg:$0x1] =	wrdreg $0xFFFFFFFF  }
0xaf: {  	[dreg:$0x0] =	wrdreg $0x60  }
0xb0: {  	[dreg:$0x2] =	wrdreg s24  }
0xb1: {  	[dreg:$0x3] =	wrdreg s18  }
0xb2: {  	[dreg:$0x4] =	wrdreg s2  }
0xb3: {  	[dreg:$0x5] =	wrdreg s4  }
0xb4: {  	[dreg:$0x6] =	wrdreg $0x9  }
0xb5: {  	_ =	task.clear_ibuf [dreg:s9], $0x7FFFF;
	_ =	strace $0x9000004F  }
0xb6: {  	s29 =	simm.s32 $0x9;
	_ =	strace $0x80000051  }
0xb7: {  	_ =	swait.ge [sflag:s29], $0x1  }
0xb8: {  	[sflag:s29] =	ssyncadd.s32 $0xFFFFFFFF  }
0xb9: {  	_ =	strace $0x90000051  }
0xba: {  	_ =	sfence  }
0xbb: {  	s30 =	sld [smem:$0x0];
	_ =	sdelay $0x2  }
0xbc: {  	s31 =	sshll.u32 s1, $0xD;
	s1 =	sshrl.u32 s1, $0x2  }
0xbd: {  	s3 =	sand.u32 $0x4000, s31;
	s1 =	sadd.s32 s1, s30  }
0xbe: {  	s0 =	sor.u32 s3, s0;
	s1 =	sshll.u32 s1, $0x11  }
0xbf: {  	s0 =	sor.u32 s1, s0  }
0xc0: {  	s0 =	sadd.s32 $0x8F2B, s0  }
0xc1: {  	[sflag:s0] =	ssyncadd.remote.s32 $0x1  }
0xc2: {  	_ =	sfence.sel $0xFFFF  }
0xc3: {  	[dreg:$0x0] =	wrdreg $0xFFFFFFFF;
	(pc) =	sbr.abs _section_cstart, $3  }
0xc4: {  	[dreg:$0x1] =	wrdreg $0xFFFFFFFF  }
0xc5: {  	_ =	task.clear_ibuf [dreg:s9], $0x2FFFF;
	_ =	strace $0x9FFFFFFF  }
0xc6: {  	(tm) =	ssettm $0x7FFFFFFF  }
0xc7: {  	_ =	shalt  }
tec
execute0_lowered:
.L_overlay_start_1:
0x0: {  	(tag) =	ssettag $0x1  }
0x1: {  	s13 =	rddreg [dreg:$0x0]  }
0x2: {  	s3 =	rddreg [dreg:$0x1]  }
0x3: {  	s1 =	srdreg.scid;
	s0 =	stileid.u32  }
0x4: {  	s5 =	rddreg [dreg:$0x2];
	s14 =	sand.u32 $0x1, s1;
	s28 =	sshll.u32 s0, $0x1  }
0x5: {  	s15 =	rddreg [dreg:$0x3];
	s16 =	sor.u32 s14, s28  }
0x6: {  	s2 =	simm.s32 $0x0;
	s1 =	rddreg [dreg:$0x4];
	s4 =	smul.u32 $0xB, s16  }
0x7: {  	[smem:$0x7FF] =	sst s2  }
0x8: {  	_ =	strace $0x80000050;
	s4 =	sadd.s32 s3, s4;
	s3 =	simm.s32 $0x2  }
0x9: {  	[tilespmem:s2], [sflag:$0x2] =	stream.linear.gather [hbm4b:s4+s2], $0x58, $0x38;
	[tilespmem:$0x3100] =	vst v63  }
0xa: {  	_ =	swait.ge [sflag:s3], $0x58  }
0xb: {  	[sflag:s3] =	ssyncset.done $0x0  }
0xc: {  	s6 =	simm.s32 $0x2C80;
	s5 =	sadd.s32 s5, s16;
	[sflag:s3] =	ssyncadd.s32 $0xFFFFFFA8  }
0xd: {  	[tilespmem:s6], [sflag:$0x2] =	stream.linear.gather [hbm4b:s5+s2], $0x8, $0x38;
	[tilespmem:$0x3100] =	vst v63  }
0xe: {  	_ =	swait.ge [sflag:s3], $0x8  }
0xf: {  	s8 =	simm.s32 $0x58;
	[sflag:s3] =	ssyncset.done $0x0  }
0x10: {  	s9 =	simm.s32 $0x80;
	s7 =	sadd.s32 $0x2800, s13;
	[sflag:s3] =	ssyncadd.s32 $0xFFFFFFF8  }
0x11: {  	[tilespmem:s9], [sflag:$0x1] =	stream.indirect.gather [hbm4b:s7+s8], $0x80, s2, s8, $0xb8;
	[tilespmem:$0x3100] =	vst v63  }
0x12: {  	s10 =	simm.s32 $0x8;
	s11 =	simm.s32 $0x2D00;
	s12 =	simm.s32 $0x1  }
0x13: {  	[tilespmem:s11], [sflag:$0x1] =	stream.indirect.gather [hbm4b:s7+s10], $0x80, s6, s10, $0xb8;
	[tilespmem:$0x3100] =	vst v63  }
0x14: {  	_ =	swait.ge [sflag:s12], $0x2C00  }
0x15: {  	[sflag:s12] =	ssyncset.done $0x0  }
0x16: {  	s14 =	ssub.s32 $0x2, s14;
	s17 =	smul.u32 $0x580, s16;
	[sflag:s12] =	ssyncadd.s32 $0xFFFFD400  }
0x17: {  	s29 =	sshrl.u32 s14, $0x1;
	_ =	swait.ge [sflag:s12], $0x400  }
0x18: {  	s13 =	sadd.s32 s17, s13;
	s17 =	ssub.s32 s14, s29;
	[sflag:s12] =	ssyncset.done $0x0  }
0x19: {  	s13 =	sadd.s32 $0xD800, s13;
	s31 =	smax.u32 s17, $0x1;
	[sflag:s12] =	ssyncadd.s32 $0xFFFFFC00  }
0x1a: {  	[hbm4b:s13+s2] =	stream.linear.scatter [tilespmem:s9], [sflag:$0x2], $0x2C00, $0x38;
	[tilespmem:$0x3100] =	vst v63  }
0x1b: {  	p0 =	sne.s32 s31, $0x1;
	_ =	swait.ge [sflag:s3], $0x2C00  }
.Ltmp0:
0x1c: {  	s30 =	sshll.u32 s16, $0x7;
	[sflag:s3] =	ssyncset.done $0x0;
	(pc) =	sbr.rel @!p0 .LBB2_2-.Ltmp0, $4  }
0x1d: {  	s14 =	sadd.s32 s15, s30;
	[sflag:s3] =	ssyncadd.s32 $0xFFFFD400  }
0x1e: {  	[hbm4b:s14+s2] =	stream.linear.scatter [tilespmem:s11], [sflag:$0x2], $0x400, $0x38;
	[tilespmem:$0x3100] =	vst v63  }
0x1f: {  	_ =	swait.ge [sflag:s3], $0x400  }
0x20: {  	s15 =	sadd.s32 $0xFFFFFFFF, s31;
	[sflag:s3] =	ssyncset.done $0x0  }
.LBB2_1:
0x21: {  	p0 =	sne.s32 s15, $0x1;
	s15 =	sadd.s32 $0xFFFFFFFF, s15;
	[sflag:s3] =	ssyncadd.s32 $0xFFFFFC00  }
0x22: {  	[tilespmem:s2], [sflag:$0x2] =	stream.linear.gather [hbm4b:s4+s2], $0x58, $0x38;
	[tilespmem:$0x3100] =	vst v63  }
0x23: {  	_ =	swait.ge [sflag:s3], $0x58  }
0x24: {  	[sflag:s3] =	ssyncset.done $0x0  }
0x25: {  	[sflag:s3] =	ssyncadd.s32 $0xFFFFFFA8  }
0x26: {  	[tilespmem:s6], [sflag:$0x2] =	stream.linear.gather [hbm4b:s5+s2], $0x8, $0x38;
	[tilespmem:$0x3100] =	vst v63  }
0x27: {  	_ =	swait.ge [sflag:s3], $0x8  }
0x28: {  	[sflag:s3] =	ssyncset.done $0x0  }
0x29: {  	[sflag:s3] =	ssyncadd.s32 $0xFFFFFFF8  }
0x2a: {  	[tilespmem:s9], [sflag:$0x1] =	stream.indirect.gather [hbm4b:s7+s8], $0x80, s2, s8, $0xb8;
	[tilespmem:$0x3100] =	vst v63  }
0x2b: {  	_ = 	snop  }
0x2c: {  	[tilespmem:s11], [sflag:$0x1] =	stream.indirect.gather [hbm4b:s7+s10], $0x80, s6, s10, $0xb8;
	[tilespmem:$0x3100] =	vst v63  }
0x2d: {  	_ =	swait.ge [sflag:s12], $0x2C00  }
0x2e: {  	[sflag:s12] =	ssyncset.done $0x0  }
0x2f: {  	[sflag:s12] =	ssyncadd.s32 $0xFFFFD400  }
0x30: {  	_ =	swait.ge [sflag:s12], $0x400  }
0x31: {  	[sflag:s12] =	ssyncset.done $0x0  }
0x32: {  	[sflag:s12] =	ssyncadd.s32 $0xFFFFFC00  }
0x33: {  	[hbm4b:s13+s2] =	stream.linear.scatter [tilespmem:s9], [sflag:$0x2], $0x2C00, $0x38;
	[tilespmem:$0x3100] =	vst v63  }
0x34: {  	_ =	swait.ge [sflag:s3], $0x2C00  }
.Ltmp1:
0x35: {  	[sflag:s3] =	ssyncset.done $0x0;
	(pc) =	sbr.rel @p0 .LBB2_1-.Ltmp1, $4  }
0x36: {  	[sflag:s3] =	ssyncadd.s32 $0xFFFFD400  }
0x37: {  	[hbm4b:s14+s2] =	stream.linear.scatter [tilespmem:s11], [sflag:$0x2], $0x400, $0x38;
	[tilespmem:$0x3100] =	vst v63  }
0x38: {  	_ =	swait.ge [sflag:s3], $0x400  }
0x39: {  	[sflag:s3] =	ssyncset.done $0x0  }
.LBB2_2:
0x3a: {  	[sflag:s3] =	ssyncadd.s32 $0xFFFFFC00  }
0x3b: {  	_ =	sfence.sel $0x180000  }
0x3c: {  	[bflag:$0x0] =	sbarrier.arrive $0xFFFF  }
0x3d: {  	p0 =	sne.s32 s0, $0x0;
	_ =	strace $0x90000050  }
0x3e: {  	s0 =	sadd.s32 @!p0 $0x100000, s1;
	[bflag:$0x2] =	sbarrier.arrive $0xFFFF  }
0x3f: {  	[sflag:s0] =	ssyncadd.tile.s32 @!p0 $0x1;
	_ =	shalt  }
.Lfunc_end2:
_tile_overlayer_lowered:
.L_overlay_start_2:
0x40: {  	(tag) =	ssettag $0x2  }
0x41: {  	s0 =	rddreg [dreg:$0x0];
	s2 =	stileid.u32  }
0x42: {  	s1 =	rddreg [dreg:$0x1];
	p0 =	sne.s32 s2, $0x0  }
0x43: {  	s3 =	rddreg [dreg:$0x2];
	[bflag:$0x3] =	sbarrier.arrive $0xFFFF;
	s2 =	simm.s32 @!p0 $0x1C02  }
0x44: {  	[timem:s3], [sflag:s2] =	dma.local @!p0 [hbm:s0], s1  }
0x45: {  	s0 =	simm.s32 @!p0 $0x2  }
0x46: {  	_ =	swait.ge @!p0 [sflag:s0], s1  }
0x47: {  	s1 =	ssub.s32 @!p0 $0x0, s1;
	[sflag:s0] =	ssyncset.done @!p0 $0x0  }
0x48: {  	[sflag:s0] =	ssyncadd.s32 @!p0 s1  }
0x49: {  	[bflag:$0x3] =	sbarrier.arrive $0xFFFF  }
0x4a: {  	_ =	shalt  }

// kernel: kernel.9.cloned.1.call-start
scs
__scs_entry_jumppad:
0x0: {  	(pc) =	sbr.rel $0x88, $3  }
0x1: {  	(tag) =	ssettag $0x0;
	lr =	simm.s32 $0x1  }
0x2: {  	[smem:$0x3F97] =	sst lr;
	_ =	strace $0xD0000000  }
0x3: {  	_ = 	snop  }
0x4: {  	_ = 	snop  }
0x5: {  	_ = 	snop  }
0x6: {  	_ = 	snop  }
0x7: {  	_ = 	snop  }
__scs_overlays_trampoline_lowered:
0x8: {  	[smem:$0x3FA6] =	sst s0  }
0x9: {  	[smem:$0x3FA7] =	sst s1  }
0xa: {  	[smem:$0x3FA8] =	sst s2  }
0xb: {  	[smem:$0x3FA9] =	sst s3  }
0xc: {  	[smem:$0x3FAA] =	sst s4  }
0xd: {  	[smem:$0x3FAB] =	sst s5  }
0xe: {  	[smem:$0x3FAC] =	sst s6  }
0xf: {  	[smem:$0x3FAD] =	sst s7  }
0x10: {  	[smem:$0x3FAE] =	sst s8  }
0x11: {  	[smem:$0x3FAF] =	sst s9;
	s0 =	simm.s32 @!p0 $0x0  }
0x12: {  	s1 =	sld [smem:$0x3F95];
	s0 =	simm.s32 @p0 $0x1  }
0x13: {  	[smem:$0x3FB0] =	sst s0;
	s0 =	simm.s32 @!p1 $0x0  }
0x14: {  	s2 =	sld [smem:$0x3F94];
	s0 =	simm.s32 @p1 $0x1  }
0x15: {  	[smem:$0x3FB1] =	sst s0;
	s0 =	simm.s32 @!p2 $0x0  }
0x16: {  	s3 =	sld [smem:$0x3FDB];
	s0 =	simm.s32 @p2 $0x1  }
0x17: {  	s4 =	simm.s32 $0x1BF5;
	[smem:$0x3FB3] =	sst s0  }
0x18: {  	s0 =	sld [smem:$0x3F96];
	_ =	swait.ge [sflag:s4], $0x0  }
0x19: {  	s7 =	sld [smem:$0x3F97]  }
0x1a: {  	s8 =	sadd.s32 $0xFFFFE003, lr  }
0x1b: {  	s9 =	sadd.s32 $0xFFFFFEF7, lr;
	s5 =	simm.s32 $0xFFFFFFFF;
	p2 =	slt.u32 s8, $0xFFFFF086  }
0x1c: {  	p1 =	slt.u32 s9, $0xF7A;
	s5 =	simm.s32 @!p2 $0x0  }
0x1d: {  	s5 =	simm.s32 @p1 $0x1;
	p0 =	seq.s32 s7, s2  }
0x1e: {  	s7 =	smul.u32 @!p0 $0xF7A, s2;
	p2 =	seq.s32 @!p0 s5, $0x0  }
0x1f: {  	s9 =	smul.u32 $0xF7A, s1;
	s8 =	simm.s32 @!p0 $0x1BF5;
	p2 =	por !p2, p0  }
0x20: {  	[sflag:s8] =	ssyncset.s32 @!p0 $0xFFFFF086;
	s6 =	sadd.s32 @!p0 s3, s7;
	s7 =	simm.s32 @!p0 $0x108  }
0x21: {  	s3 =	sadd.s32 s3, s9;
	s6 =	sadd.s32 @!p0 $0x88, s6;
	s7 =	simm.s32 @p2 $0x1082  }
0x22: {  	[simem:s7], [sflag:s8] =	dma.local @!p0 [hbm:s6], $0xF7A  }
0x23: {  	s9 =	sor.u32 $0xD0000000, s2;
	s6 =	simm.s32 $0x108;
	_ =	swait.ge @!p0 [sflag:s8], $0x0  }
0x24: {  	s3 =	sadd.s32 $0x88, s3;
	s6 =	simm.s32 @!p1 $0x1082;
	[sflag:s4] =	ssyncset.s32 $0xFFFFF086  }
0x25: {  	[simem:s6], [sflag:s4] =	dma.local [hbm:s3], $0xF7A  }
0x26: {  	[smem:$0x3F97] =	sst s1;
	(tag) =	ssettag s2;
	_ =	strace s9  }
0x27: {  	s1 =	sld [smem:$0x3FA7]  }
0x28: {  	s2 =	sld [smem:$0x3FA8]  }
0x29: {  	s4 =	sld [smem:$0x3FAA]  }
0x2a: {  	p0 =	seq.s32 s5, $0x0;
	s5 =	sld [smem:$0x3FAB]  }
0x2b: {  	s6 =	sld [smem:$0x3FAC]  }
0x2c: {  	s7 =	sld [smem:$0x3FAD]  }
0x2d: {  	s3 =	simm.s32 $0x108;
	s8 =	sld [smem:$0x3FAE]  }
0x2e: {  	s3 =	simm.s32 @!p0 $0x1082;
	s9 =	sld [smem:$0x3FAF]  }
0x2f: {  	lr =	sadd.s32 s0, s3;
	s0 =	sld [smem:$0x3FA6]  }
0x30: {  	s3 =	sld [smem:$0x3FA9]  }
0x31: {  	[smem:$0x3FB2] =	sst s10  }
0x32: {  	s10 =	sld [smem:$0x3FB0];
	_ =	sdelay $0x3  }
0x33: {  	p0 =	seq.s32 s10, $0x1;
	s10 =	sld [smem:$0x3FB2];
	_ =	sdelay $0x3  }
0x34: {  	[smem:$0x3FB2] =	sst s10  }
0x35: {  	s10 =	sld [smem:$0x3FB1];
	_ =	sdelay $0x3  }
0x36: {  	p1 =	seq.s32 s10, $0x1;
	s10 =	sld [smem:$0x3FB2];
	_ =	sdelay $0x3  }
0x37: {  	[smem:$0x3FB2] =	sst s10  }
0x38: {  	s10 =	sld [smem:$0x3FB3]  }
0x39: {  	_ = 	snop;
	(pc) =	sbr.ind lr, $3  }
0x3a: {  	_ = 	snop  }
0x3b: {  	_ = 	snop  }
0x3c: {  	p2 =	seq.s32 s10, $0x1;
	s10 =	sld [smem:$0x3FB2]  }
0x3d: {  	_ =	shalt  }
0x3e: {  	_ =	shalt  }
0x3f: {  	_ =	shalt  }
0x40: {  	_ =	shalt  }
0x41: {  	_ =	shalt  }
0x42: {  	_ =	shalt  }
0x43: {  	_ =	shalt  }
0x44: {  	_ =	shalt  }
0x45: {  	_ =	shalt  }
0x46: {  	_ =	shalt  }
0x47: {  	_ =	shalt  }
0x48: {  	_ =	shalt  }
0x49: {  	_ =	shalt  }
0x4a: {  	_ =	shalt  }
0x4b: {  	_ =	shalt  }
0x4c: {  	_ =	shalt  }
0x4d: {  	_ =	shalt  }
0x4e: {  	_ =	shalt  }
0x4f: {  	_ =	shalt  }
0x50: {  	_ =	shalt  }
0x51: {  	_ =	shalt  }
0x52: {  	_ =	shalt  }
0x53: {  	_ =	shalt  }
0x54: {  	_ =	shalt  }
0x55: {  	_ =	shalt  }
0x56: {  	_ =	shalt  }
0x57: {  	_ =	shalt  }
0x58: {  	_ =	shalt  }
0x59: {  	_ =	shalt  }
0x5a: {  	_ =	shalt  }
0x5b: {  	_ =	shalt  }
0x5c: {  	_ =	shalt  }
0x5d: {  	_ =	shalt  }
0x5e: {  	_ =	shalt  }
0x5f: {  	_ =	shalt  }
0x60: {  	_ =	shalt  }
0x61: {  	_ =	shalt  }
0x62: {  	_ =	shalt  }
0x63: {  	_ =	shalt  }
0x64: {  	_ =	shalt  }
0x65: {  	_ =	shalt  }
0x66: {  	_ =	shalt  }
0x67: {  	_ =	shalt  }
0x68: {  	_ =	shalt  }
0x69: {  	_ =	shalt  }
0x6a: {  	_ =	shalt  }
0x6b: {  	_ =	shalt  }
0x6c: {  	_ =	shalt  }
0x6d: {  	_ =	shalt  }
0x6e: {  	_ =	shalt  }
0x6f: {  	_ =	shalt  }
0x70: {  	_ =	shalt  }
0x71: {  	_ =	shalt  }
0x72: {  	_ =	shalt  }
0x73: {  	_ =	shalt  }
0x74: {  	_ =	shalt  }
0x75: {  	_ =	shalt  }
0x76: {  	_ =	shalt  }
0x77: {  	_ =	shalt  }
0x78: {  	_ =	shalt  }
0x79: {  	_ =	shalt  }
0x7a: {  	_ =	shalt  }
0x7b: {  	_ =	shalt  }
0x7c: {  	_ =	shalt  }
0x7d: {  	_ =	shalt  }
0x7e: {  	_ =	shalt  }
0x7f: {  	_ =	shalt  }
0x80: {  	_ =	shalt  }
0x81: {  	_ =	shalt  }
0x82: {  	_ =	shalt  }
0x83: {  	_ =	shalt  }
0x84: {  	_ =	shalt  }
0x85: {  	_ =	shalt  }
0x86: {  	_ =	shalt  }
0x87: {  	_ =	shalt  }
.Lfunc_end0:
.L_simem_size_0:
called_computation_lowered:
.L_overlay_start_0:
0x88: {  	s2 =	sld [smem:$0x3FD9]  }
0x89: {  	s3 =	sld [smem:$0x3FFE];
	_ =	sdelay $0x1  }
0x8a: {  	s1 =	srdreg.scid  }
0x8b: {  	s0 =	sand.u32 $0x1, s1  }
0x8c: {  	s17 =	sshll.u32 s0, $0xA;
	s2 =	sadd.s32 s3, s2  }
0x8d: {  	s2 =	sadd.s32 s2, s17  }
0x8e: {  	[smem:$0x3FBE] =	sst s2  }
0x8f: {  	_ = 	snop  }
0x90: {  	s2 =	sld [smem:$0x3FC9]  }
0x91: {  	s18 =	sld [smem:$0x3FC8]  }
0x92: {  	s4 =	sld [smem:$0x3FD0];
	(tm) =	ssettm $0x1  }
0x93: {  	s5 =	sld [smem:$0x3FFB];
	_ =	sdelay $0x3  }
0x94: {  	_ =	strace s5  }
0x95: {  	s5 =	sld [smem:$0x3FFC];
	_ =	sdelay $0x3  }
0x96: {  	_ =	strace s5  }
0x97: {  	s5 =	sld [smem:$0x3FFD];
	_ =	sdelay $0x3  }
0x98: {  	_ =	strace s5  }
0x99: {  	_ =	strace $0x8FFFFFFF  }
0x9a: {  	s19 =	sld [smem:$0x3FDB];
	_ =	sdelay $0x1  }
0x9b: {  	s6 =	simm.s32 $_scs_section_size  }
0x9c: {  	s7 =	simm.s32 $_size__tile_overlayer_lowered;
	s8 =	simm.s32 $_tile_overlayer_lowered  }
0x9d: {  	s22 =	simm.s32 $0x1BFF;
	s21 =	sshll.u32 s8, $0x1;
	s5 =	sadd.s32 s6, s19  }
0x9e: {  	s9 =	simm.s32 $0x0;
	s20 =	sshll.u32 s7, $0x1;
	s7 =	sadd.s32 s21, s5  }
0x9f: {  	[timem:s9], [sflag:s22] =	dma.local [hbm:s7], s20  }
0xa0: {  	_ =	swait.ge [sflag:s22], s20  }
0xa1: {  	s6 =	ssub.s32 $0x0, s20;
	[sflag:s22] =	ssyncset.done $0x0  }
0xa2: {  	[sflag:s22] =	ssyncadd.s32 s6;
	_ =	sdelay $0x1  }
0xa3: {  	s23 =	simm.s32 $0x1B8B  }
0xa4: {  	_ =	swait.ge [sflag:s23], $0x1  }
0xa5: {  	[sflag:s23] =	ssyncset.done $0x0  }
0xa6: {  	s25 =	simm.s32 $0x1B8E;
	s24 =	sld [smem:$0x3FFE];
	[sflag:s23] =	ssyncadd.s32 $0xFFFFFFFF  }
0xa7: {  	s26 =	simm.s32 $execute0_lowered;
	[smem:$0x3FD2] =	sst s25  }
0xa8: {  	s7 =	sshll.u32 s26, $0x1;
	_ =	strace $0x80000046;
	[dreg:$0x1] =	wrdreg $0xFFFFFFFF  }
0xa9: {  	s28 =	simm.s32 $_size_execute0_lowered;
	s5 =	sadd.s32 s5, s7;
	[dreg:$0x0] =	wrdreg $0x0  }
0xaa: {  	s7 =	sshll.u32 s28, $0x1;
	[dreg:$0x2] =	wrdreg s5  }
0xab: {  	[dreg:$0x3] =	wrdreg s7  }
0xac: {  	[dreg:$0x4] =	wrdreg $0xC0  }
0xad: {  	_ =	task [dreg:s9], $0x5FFFF  }
0xae: {  	[dreg:$0x1] =	wrdreg $0xFFFFFFFF  }
0xaf: {  	[dreg:$0x0] =	wrdreg $0x60  }
0xb0: {  	[dreg:$0x2] =	wrdreg s2  }
0xb1: {  	[dreg:$0x3] =	wrdreg s18  }
0xb2: {  	[dreg:$0x4] =	wrdreg s4  }
0xb3: {  	[dreg:$0x5] =	wrdreg s24  }
0xb4: {  	[dreg:$0x6] =	wrdreg $0x9  }
0xb5: {  	_ =	task.clear_ibuf [dreg:s9], $0x7FFFF;
	_ =	strace $0x90000046  }
0xb6: {  	s29 =	simm.s32 $0x9;
	_ =	strace $0x80000048  }
0xb7: {  	_ =	swait.ge [sflag:s29], $0x1  }
0xb8: {  	[sflag:s29] =	ssyncadd.s32 $0xFFFFFFFF  }
0xb9: {  	_ =	strace $0x90000048  }
0xba: {  	_ =	sfence  }
0xbb: {  	s30 =	sld [smem:$0x0];
	_ =	sdelay $0x2  }
0xbc: {  	s31 =	sshll.u32 s1, $0xD;
	s1 =	sshrl.u32 s1, $0x2  }
0xbd: {  	s3 =	sand.u32 $0x4000, s31;
	s1 =	sadd.s32 s1, s30  }
0xbe: {  	s0 =	sor.u32 s3, s0;
	s1 =	sshll.u32 s1, $0x11  }
0xbf: {  	s0 =	sor.u32 s1, s0  }
0xc0: {  	s0 =	sadd.s32 $0x8F2B, s0  }
0xc1: {  	[sflag:s0] =	ssyncadd.remote.s32 $0x1  }
0xc2: {  	_ =	sfence.sel $0xFFFF  }
0xc3: {  	[dreg:$0x0] =	wrdreg $0xFFFFFFFF;
	(pc) =	sbr.abs _section_cstart, $3  }
0xc4: {  	[dreg:$0x1] =	wrdreg $0xFFFFFFFF  }
0xc5: {  	_ =	task.clear_ibuf [dreg:s9], $0x2FFFF;
	_ =	strace $0x9FFFFFFF  }
0xc6: {  	(tm) =	ssettm $0x7FFFFFFF  }
0xc7: {  	_ =	shalt  }
tec
execute0_lowered:
.L_overlay_start_1:
0x0: {  	(tag) =	ssettag $0x1  }
0x1: {  	s1 =	rddreg [dreg:$0x0]  }
0x2: {  	s2 =	rddreg [dreg:$0x1]  }
0x3: {  	s3 =	srdreg.scid;
	s0 =	stileid.u32  }
0x4: {  	s5 =	rddreg [dreg:$0x2];
	s14 =	sand.u32 $0x1, s3;
	s29 =	sshll.u32 s0, $0x1  }
0x5: {  	s15 =	rddreg [dreg:$0x3];
	s16 =	sor.u32 s14, s29  }
0x6: {  	s4 =	simm.s32 $0x0;
	s3 =	rddreg [dreg:$0x4];
	s6 =	smul.u32 $0x14, s16  }
0x7: {  	[smem:$0x7FF] =	sst s4  }
0x8: {  	_ =	strace $0x80000047;
	s6 =	sadd.s32 s5, s6;
	s5 =	simm.s32 $0x3  }
0x9: {  	[tilespmem:s4], [sflag:$0x3] =	stream.linear.gather [hbm4b:s6+s4], $0xA0, $0x38;
	[tilespmem:$0x5200] =	vst v63  }
0xa: {  	_ =	swait.ge [sflag:s5], $0xA0  }
0xb: {  	[sflag:s5] =	ssyncset.done $0x0  }
0xc: {  	s7 =	simm.s32 $0x50;
	s8 =	simm.s32 $0x100;
	[sflag:s5] =	ssyncadd.s32 $0xFFFFFF60  }
0xd: {  	[tilespmem:s8], [sflag:$0x1] =	stream.indirect.gather [hbm4b:s2+s7], $0x1, s4, s7, $0xb8;
	[tilespmem:$0x5200] =	vst v63  }
0xe: {  	s9 =	simm.s32 $0x150;
	s10 =	simm.s32 $0x1  }
0xf: {  	[tilespmem:s9], [sflag:$0x1] =	stream.indirect.gather [hbm4b:s2+s7], $0x1, s7, s7, $0xb8;
	[tilespmem:$0x5200] =	vst v63  }
0x10: {  	_ =	swait.ge [sflag:s10], $0x50  }
0x11: {  	[sflag:s10] =	ssyncset.done $0x0  }
0x12: {  	s11 =	simm.s32 $0x200;
	[sflag:s10] =	ssyncadd.s32 $0xFFFFFFB0  }
0x13: {  	[tilespmem:s11], [sflag:$0x2] =	stream.indirect.gather [hbm4b:s1+s7], $0x80, s8, s7, $0xb8;
	[tilespmem:$0x5200] =	vst v63  }
0x14: {  	_ =	swait.ge [sflag:s10], $0x50  }
0x15: {  	s12 =	simm.s32 $0x2A00;
	[sflag:s10] =	ssyncset.done $0x0  }
0x16: {  	s13 =	simm.s32 $0x2;
	s14 =	ssub.s32 $0x2, s14;
	[sflag:s10] =	ssyncadd.s32 $0xFFFFFFB0  }
0x17: {  	[tilespmem:s12], [sflag:$0x2] =	stream.indirect.gather [hbm4b:s1+s7], $0x80, s9, s7, $0xb8;
	[tilespmem:$0x5200] =	vst v63  }
0x18: {  	s17 =	sshrl.u32 s14, $0x1;
	_ =	swait.ge [sflag:s13], $0x2800  }
0x19: {  	s30 =	ssub.s32 s14, s17;
	[sflag:s13] =	ssyncset.done $0x0  }
0x1a: {  	s16 =	smul.u32 $0xA00, s16;
	s31 =	smax.u32 s30, $0x1;
	[sflag:s13] =	ssyncadd.s32 $0xFFFFD800  }
0x1b: {  	p0 =	sne.s32 s31, $0x1;
	_ =	swait.ge [sflag:s13], $0x2800  }
.Ltmp0:
0x1c: {  	s15 =	sadd.s32 s16, s15;
	[sflag:s13] =	ssyncset.done $0x0;
	(pc) =	sbr.rel @!p0 .LBB2_2-.Ltmp0, $4  }
0x1d: {  	s14 =	sadd.s32 $0x2800, s15;
	[sflag:s13] =	ssyncadd.s32 $0xFFFFD800  }
0x1e: {  	[hbm4b:s14+s4] =	stream.linear.scatter [tilespmem:s11], [sflag:$0x3], $0x5000, $0x38;
	[tilespmem:$0x5200] =	vst v63  }
0x1f: {  	_ =	swait.ge [sflag:s5], $0x5000  }
0x20: {  	s15 =	sadd.s32 $0xFFFFFFFF, s31;
	[sflag:s5] =	ssyncset.done $0x0  }
.LBB2_1:
0x21: {  	p0 =	sne.s32 s15, $0x1;
	s15 =	sadd.s32 $0xFFFFFFFF, s15;
	[sflag:s5] =	ssyncadd.s32 $0xFFFFB000  }
0x22: {  	[tilespmem:s4], [sflag:$0x3] =	stream.linear.gather [hbm4b:s6+s4], $0xA0, $0x38;
	[tilespmem:$0x5200] =	vst v63  }
0x23: {  	_ =	swait.ge [sflag:s5], $0xA0  }
0x24: {  	[sflag:s5] =	ssyncset.done $0x0  }
0x25: {  	[sflag:s5] =	ssyncadd.s32 $0xFFFFFF60  }
0x26: {  	[tilespmem:s8], [sflag:$0x1] =	stream.indirect.gather [hbm4b:s2+s7], $0x1, s4, s7, $0xb8;
	[tilespmem:$0x5200] =	vst v63  }
0x27: {  	_ = 	snop  }
0x28: {  	[tilespmem:s9], [sflag:$0x1] =	stream.indirect.gather [hbm4b:s2+s7], $0x1, s7, s7, $0xb8;
	[tilespmem:$0x5200] =	vst v63  }
0x29: {  	_ =	swait.ge [sflag:s10], $0x50  }
0x2a: {  	[sflag:s10] =	ssyncset.done $0x0  }
0x2b: {  	[sflag:s10] =	ssyncadd.s32 $0xFFFFFFB0  }
0x2c: {  	[tilespmem:s11], [sflag:$0x2] =	stream.indirect.gather [hbm4b:s1+s7], $0x80, s8, s7, $0xb8;
	[tilespmem:$0x5200] =	vst v63  }
0x2d: {  	_ =	swait.ge [sflag:s10], $0x50  }
0x2e: {  	[sflag:s10] =	ssyncset.done $0x0  }
0x2f: {  	[sflag:s10] =	ssyncadd.s32 $0xFFFFFFB0  }
0x30: {  	[tilespmem:s12], [sflag:$0x2] =	stream.indirect.gather [hbm4b:s1+s7], $0x80, s9, s7, $0xb8;
	[tilespmem:$0x5200] =	vst v63  }
0x31: {  	_ =	swait.ge [sflag:s13], $0x2800  }
0x32: {  	[sflag:s13] =	ssyncset.done $0x0  }
0x33: {  	[sflag:s13] =	ssyncadd.s32 $0xFFFFD800  }
0x34: {  	_ =	swait.ge [sflag:s13], $0x2800  }
.Ltmp1:
0x35: {  	[sflag:s13] =	ssyncset.done $0x0;
	(pc) =	sbr.rel @p0 .LBB2_1-.Ltmp1, $4  }
0x36: {  	[sflag:s13] =	ssyncadd.s32 $0xFFFFD800  }
0x37: {  	[hbm4b:s14+s4] =	stream.linear.scatter [tilespmem:s11], [sflag:$0x3], $0x5000, $0x38;
	[tilespmem:$0x5200] =	vst v63  }
0x38: {  	_ =	swait.ge [sflag:s5], $0x5000  }
0x39: {  	[sflag:s5] =	ssyncset.done $0x0  }
.LBB2_2:
0x3a: {  	[sflag:s5] =	ssyncadd.s32 $0xFFFFB000  }
0x3b: {  	_ =	sfence.sel $0x180000  }
0x3c: {  	[bflag:$0x0] =	sbarrier.arrive $0xFFFF  }
0x3d: {  	p0 =	sne.s32 s0, $0x0;
	_ =	strace $0x90000047  }
0x3e: {  	s0 =	sadd.s32 @!p0 $0x100000, s3;
	[bflag:$0x2] =	sbarrier.arrive $0xFFFF  }
0x3f: {  	[sflag:s0] =	ssyncadd.tile.s32 @!p0 $0x1;
	_ =	shalt  }
.Lfunc_end2:
_tile_overlayer_lowered:
.L_overlay_start_2:
0x40: {  	(tag) =	ssettag $0x2  }
0x41: {  	s0 =	rddreg [dreg:$0x0];
	s2 =	stileid.u32  }
0x42: {  	s1 =	rddreg [dreg:$0x1];
	p0 =	sne.s32 s2, $0x0  }
0x43: {  	s3 =	rddreg [dreg:$0x2];
	[bflag:$0x3] =	sbarrier.arrive $0xFFFF;
	s2 =	simm.s32 @!p0 $0x1C03  }
0x44: {  	[timem:s3], [sflag:s2] =	dma.local @!p0 [hbm:s0], s1  }
0x45: {  	s0 =	simm.s32 @!p0 $0x3  }
0x46: {  	_ =	swait.ge @!p0 [sflag:s0], s1  }
0x47: {  	s1 =	ssub.s32 @!p0 $0x0, s1;
	[sflag:s0] =	ssyncset.done @!p0 $0x0  }
0x48: {  	[sflag:s0] =	ssyncadd.s32 @!p0 s1  }
0x49: {  	[bflag:$0x3] =	sbarrier.arrive $0xFFFF  }
0x4a: {  	_ =	shalt  }

</sc_bundles>
